<compile_context>
chip_gen: v7x
topology: tpu7x:2x2x1
jax: 0.10.2.dev20260603
libtpu: 0.0.44.dev20260713+nightly
codegen_flags: <defaults>
</compile_context>

<pallas_src>
import functools

import jax
import jax.numpy as jnp
from jax import lax
from jax.experimental import layout as jxl
from jax.experimental import pallas as pl
from jax.experimental.pallas import tpu as pltpu
from jax.experimental.pallas import tpu_sc as plsc

_NC = 2
_NS = 16
_CHUNK = 128

_ROW_MAJOR = jxl.Layout(major_to_minor=(0, 1), tiling=((8, 128),))


def _pin_rows(a):
    return jxl.with_layout_constraint(a, _ROW_MAJOR)


def _sc_scatter_rows(h, src, dst, n_acc):
    _, d = h.shape
    c_chunks = dst.shape[2]
    rpt = n_acc // _NS
    mesh = plsc.VectorSubcoreMesh(core_axis_name="c", subcore_axis_name="s")

    @functools.partial(
        pl.kernel,
        mesh=mesh,
        out_type=jax.ShapeDtypeStruct((_NC, n_acc, d), jnp.float32),
        scratch_types=[
            pltpu.VMEM((2, _CHUNK), jnp.int32),
            pltpu.VMEM((2, _CHUNK), jnp.int32),
            pltpu.VMEM((_CHUNK, d), jnp.float32),
            pltpu.VMEM((_CHUNK, d), jnp.float32),
            pltpu.VMEM_SHARED((n_acc, d), jnp.float32),
            pltpu.SemaphoreType.DMA,
            pltpu.SemaphoreType.DMA,
        ],
    )
    def k(h_hbm, src_hbm, dst_hbm, out_hbm, src_v, dst_v, rows, rows_b,
          acc_sh, gsem, gsem_b):
        cid = lax.axis_index("c")
        sid = lax.axis_index("s")

        zero16 = jnp.zeros((16,), jnp.float32)

        @pl.loop(0, _CHUNK)
        def _(r):
            @pl.loop(0, d, step=16)
            def _(j):
                rows[r, pl.ds(j, 16)] = zero16

        base = sid * rpt

        @pl.loop(0, rpt, step=_CHUNK)
        def _(r0):
            pltpu.sync_copy(rows, acc_sh.at[pl.ds(base + r0, _CHUNK)])

        plsc.subcore_barrier()

        @pl.loop(0, c_chunks, step=2)
        def _(cc):
            pltpu.sync_copy(src_hbm.at[cid, sid, pl.ds(cc, 2)], src_v)
            pltpu.sync_copy(dst_hbm.at[cid, sid, pl.ds(cc, 2)], dst_v)
            ga = pltpu.async_copy(h_hbm.at[src_v.at[0]], rows, gsem)
            gb = pltpu.async_copy(h_hbm.at[src_v.at[1]], rows_b, gsem_b)
            ga.wait()
            pltpu.sync_copy(rows, acc_sh.at[dst_v.at[0]], add=True)
            gb.wait()
            pltpu.sync_copy(rows_b, acc_sh.at[dst_v.at[1]], add=True)

        plsc.subcore_barrier()

        @pl.loop(0, rpt, step=_CHUNK)
        def _(r0):
            pltpu.sync_copy(
                acc_sh.at[pl.ds(base + r0, _CHUNK)],
                out_hbm.at[cid, pl.ds(base + r0, _CHUNK)],
            )

    return k(h, src, dst)


def _sc_degree(dst, n_acc):
    c_chunks = dst.shape[2]
    rpt = n_acc // _NS
    mesh = plsc.VectorSubcoreMesh(core_axis_name="c", subcore_axis_name="s")

    @functools.partial(
        pl.kernel,
        mesh=mesh,
        out_type=jax.ShapeDtypeStruct((_NC, n_acc, 16), jnp.float32),
        scratch_types=[
            pltpu.VMEM((c_chunks, _CHUNK), jnp.int32),
            pltpu.VMEM((_CHUNK, 16), jnp.float32),
            pltpu.VMEM((_CHUNK, 16), jnp.float32),
            pltpu.VMEM_SHARED((n_acc, 16), jnp.float32),
        ],
    )
    def k(dst_hbm, out_hbm, dst_v, ones_v, zeros_v, acc_sh):
        cid = lax.axis_index("c")
        sid = lax.axis_index("s")

        one16 = jnp.ones((16,), jnp.float32)
        zero16 = jnp.zeros((16,), jnp.float32)

        @pl.loop(0, _CHUNK)
        def _(r):
            ones_v[r, :] = one16
            zeros_v[r, :] = zero16

        base = sid * rpt

        @pl.loop(0, rpt, step=_CHUNK)
        def _(r0):
            pltpu.sync_copy(zeros_v, acc_sh.at[pl.ds(base + r0, _CHUNK)])

        pltpu.sync_copy(dst_hbm.at[cid, sid], dst_v)
        plsc.subcore_barrier()

        @pl.loop(0, c_chunks)
        def _(cc):
            pltpu.sync_copy(ones_v, acc_sh.at[dst_v.at[cc]], add=True)

        plsc.subcore_barrier()

        @pl.loop(0, rpt, step=_CHUNK)
        def _(r0):
            pltpu.sync_copy(
                acc_sh.at[pl.ds(base + r0, _CHUNK)],
                out_hbm.at[cid, pl.ds(base + r0, _CHUNK)],
            )

    return k(dst)


def _dot(a, b):
    return lax.dot_general(
        a, b, (((1,), (0,)), ((), ())),
        precision=lax.Precision.HIGHEST,
        preferred_element_type=jnp.float32,
    )


_ROWS_BLK = 1000


def _tc_matmul(x, w):
    n, kdim = x.shape
    m = w.shape[1]

    def body(x_ref, w_ref, o_ref):
        o_ref[...] = _dot(x_ref[...], w_ref[...])

    return pl.pallas_call(
        body,
        grid=(n // _ROWS_BLK,),
        in_specs=[
            pl.BlockSpec((_ROWS_BLK, kdim), lambda i: (i, 0)),
            pl.BlockSpec((kdim, m), lambda i: (0, 0)),
        ],
        out_specs=pl.BlockSpec((_ROWS_BLK, m), lambda i: (i, 0)),
        out_shape=jax.ShapeDtypeStruct((n, m), jnp.float32),
    )(x, w)


def _tc_norm_scale(p0, p1, h1):
    n, d = h1.shape

    def body(p0_ref, p1_ref, h_ref, hp_ref, dis_ref):
        deg = p0_ref[...] + p1_ref[...] + 1.0
        dis = lax.rsqrt(deg)
        dis_ref[...] = dis
        hp_ref[...] = h_ref[...] * dis

    return pl.pallas_call(
        body,
        grid=(n // _ROWS_BLK,),
        in_specs=[
            pl.BlockSpec((_ROWS_BLK, 1), lambda i: (i, 0)),
            pl.BlockSpec((_ROWS_BLK, 1), lambda i: (i, 0)),
            pl.BlockSpec((_ROWS_BLK, d), lambda i: (i, 0)),
        ],
        out_specs=[
            pl.BlockSpec((_ROWS_BLK, d), lambda i: (i, 0)),
            pl.BlockSpec((_ROWS_BLK, 1), lambda i: (i, 0)),
        ],
        out_shape=[
            jax.ShapeDtypeStruct((n, d), jnp.float32),
            jax.ShapeDtypeStruct((n, 1), jnp.float32),
        ],
    )(p0, p1, h1)


def _tc_mid(q0, q1, h1p, dis, b1, w2):
    n, d = h1p.shape
    m = w2.shape[1]

    def body(q0_ref, q1_ref, hp_ref, dis_ref, b_ref, w_ref, o_ref):
        z = (q0_ref[...] + q1_ref[...] + hp_ref[...]) * dis_ref[...] + b_ref[...]
        z = jnp.maximum(z, 0.0)
        o_ref[...] = _dot(z, w_ref[...]) * dis_ref[...]

    return pl.pallas_call(
        body,
        grid=(n // _ROWS_BLK,),
        in_specs=[
            pl.BlockSpec((_ROWS_BLK, d), lambda i: (i, 0)),
            pl.BlockSpec((_ROWS_BLK, d), lambda i: (i, 0)),
            pl.BlockSpec((_ROWS_BLK, d), lambda i: (i, 0)),
            pl.BlockSpec((_ROWS_BLK, 1), lambda i: (i, 0)),
            pl.BlockSpec((1, d), lambda i: (0, 0)),
            pl.BlockSpec((d, m), lambda i: (0, 0)),
        ],
        out_specs=pl.BlockSpec((_ROWS_BLK, m), lambda i: (i, 0)),
        out_shape=jax.ShapeDtypeStruct((n, m), jnp.float32),
    )(q0, q1, h1p, dis, b1, w2)


def _tc_final(q0, q1, h2p, dis, b2):
    n, d = h2p.shape

    def body(q0_ref, q1_ref, hp_ref, dis_ref, b_ref, o_ref):
        o_ref[...] = (
            (q0_ref[...] + q1_ref[...] + hp_ref[...]) * dis_ref[...] + b_ref[...]
        )

    return pl.pallas_call(
        body,
        grid=(n // _ROWS_BLK,),
        in_specs=[
            pl.BlockSpec((_ROWS_BLK, d), lambda i: (i, 0)),
            pl.BlockSpec((_ROWS_BLK, d), lambda i: (i, 0)),
            pl.BlockSpec((_ROWS_BLK, d), lambda i: (i, 0)),
            pl.BlockSpec((_ROWS_BLK, 1), lambda i: (i, 0)),
            pl.BlockSpec((1, d), lambda i: (0, 0)),
        ],
        out_specs=pl.BlockSpec((_ROWS_BLK, d), lambda i: (i, 0)),
        out_shape=jax.ShapeDtypeStruct((n, d), jnp.float32),
    )(q0, q1, h2p, dis, b2)


def kernel(x, edge_index, W1, b1, W2, b2):
    n, _ = x.shape
    e = edge_index.shape[1]

    src = edge_index[0].astype(jnp.int32)
    dst = edge_index[1].astype(jnp.int32)

    per_round = _NC * _NS * _CHUNK
    c_chunks = -(-e // per_round)
    c_chunks += c_chunks % 2
    e_pad = c_chunks * per_round
    pad = e_pad - e
    if pad:
        src = jnp.concatenate([src, jnp.zeros((pad,), jnp.int32)])
        dst = jnp.concatenate([dst, jnp.full((pad,), n, jnp.int32)])
    src_r = src.reshape(_NC, _NS, c_chunks, _CHUNK)
    dst_r = dst.reshape(_NC, _NS, c_chunks, _CHUNK)

    slab = _NS * _CHUNK
    n_acc = -(-(n + 1) // slab) * slab

    deg_p = _sc_degree(dst_r, n_acc)
    h1 = _tc_matmul(x, W1)

    p0 = deg_p[0, :n, 0:1]
    p1 = deg_p[1, :n, 0:1]
    h1p, dis = _tc_norm_scale(p0, p1, h1)

    s1 = _sc_scatter_rows(_pin_rows(h1p), src_r, dst_r, n_acc)
    h2p = _tc_mid(s1[0, :n], s1[1, :n], h1p, dis, b1.reshape(1, -1), W2)

    s2 = _sc_scatter_rows(_pin_rows(h2p), src_r, dst_r, n_acc)
    return _tc_final(s2[0, :n], s2[1, :n], h2p, dis, b2.reshape(1, -1))

# --- scband reference (transcript-rebuilt; emitter-appended) ---
"""Pipeline reference for scband-gcn-4166118277715 (READ-ONLY COPY).

The authoritative reference and input builder live on the scoring server;
editing this copy changes nothing except your own understanding.
"""

import jax, jax.numpy as jnp
import numpy as np

N_NODES = 10000
N_EDGES = 320000
D_IN = 128
D_HID = 128
D_OUT = 128


def setup_inputs(seed: int = 0) -> dict:
    key = jax.random.key(seed)
    k_x, k_e, k_w1, k_b1, k_w2, k_b2 = jax.random.split(key, 6)
    x = jax.random.normal(k_x, (N_NODES, D_IN), dtype=jnp.float32)
    edge_index = jax.random.randint(k_e, (2, N_EDGES), 0, N_NODES, dtype=jnp.int64)
    # Glorot-style init for GCNConv weights, zeros for bias (matches PyG defaults)
    s1 = 1.0 / np.sqrt(D_IN)
    s2 = 1.0 / np.sqrt(D_HID)
    W1 = jax.random.uniform(k_w1, (D_IN, D_HID), dtype=jnp.float32, minval=-s1, maxval=s1)
    b1 = jnp.zeros((D_HID,), dtype=jnp.float32)
    W2 = jax.random.uniform(k_w2, (D_HID, D_OUT), dtype=jnp.float32, minval=-s2, maxval=s2)
    b2 = jnp.zeros((D_OUT,), dtype=jnp.float32)
    return {"x": x, "edge_index": edge_index, "W1": W1, "b1": b1, "W2": W2, "b2": b2}


def _gcn_conv(x, src, dst, norm, W, b):
    # h = X W ; out[dst] += norm * h[src] ; out += b
    h = x @ W
    msg = h[src] * norm[:, None]
    out = jnp.zeros((x.shape[0], W.shape[1]), dtype=x.dtype).at[dst].add(msg)
    return out + b


def reference(x, edge_index, W1, b1, W2, b2):
    N = x.shape[0]
    # add self-loops (PyG GCNConv default add_self_loops=True)
    loop = jnp.arange(N, dtype=edge_index.dtype)
    src = jnp.concatenate([edge_index[0], loop])
    dst = jnp.concatenate([edge_index[1], loop])
    # symmetric normalization D^{-1/2} (A+I) D^{-1/2}, degree computed on dst
    deg = jnp.zeros((N,), dtype=x.dtype).at[dst].add(1.0)
    deg_inv_sqrt = jnp.where(deg > 0, 1.0 / jnp.sqrt(deg), 0.0)
    norm = deg_inv_sqrt[src] * deg_inv_sqrt[dst]
    h = _gcn_conv(x, src, dst, norm, W1, b1)
    h = jax.nn.relu(h)
    out = _gcn_conv(h, src, dst, norm, W2, b2)
    return out

if __name__ == "__main__":
    import jax
    _d = setup_inputs()
    print(jax.jit(kernel)(*tuple(_d.values())))

</pallas_src>

<mosaic_0001>
#map = affine_map<(d0, d1) -> (0, 0)>
#map1 = affine_map<(d0, d1) -> (0, 0, 0, 0)>
#map2 = affine_map<(d0, d1) -> (0, 0, 0)>
module attributes {stable_mosaic.version = 14 : i64} {
  func.func @k(%arg0: i32, %arg1: i32, %arg2: memref<10000x128xf32, #tpu.memory_space<hbm>>, %arg3: memref<2x16x80x128xi32, #tpu.memory_space<hbm>>, %arg4: memref<2x16x80x128xi32, #tpu.memory_space<hbm>>, %arg5: memref<2x10240x128xf32, #tpu.memory_space<hbm>>, %arg6: memref<2x128xi32, #tpu.memory_space<vmem>>, %arg7: memref<2x128xi32, #tpu.memory_space<vmem>>, %arg8: memref<128x128xf32, #tpu.memory_space<vmem>>, %arg9: memref<128x128xf32, #tpu.memory_space<vmem>>, %arg10: memref<10240x128xf32, #tpu.memory_space<vmem_shared>>, %arg11: memref<!tpu.dma_semaphore, #tpu.memory_space<semaphore_mem>>, %arg12: memref<!tpu.dma_semaphore, #tpu.memory_space<semaphore_mem>>) attributes {dimension_semantics = [#tpu.dimension_semantics<core_parallel>, #tpu.dimension_semantics<subcore_parallel>], iteration_bounds = array<i64: 2, 16>, scalar_prefetch = 0 : i64, scratch_operands = 7 : i64, tpu.core_type = #tpu.core_type<sc_vector_subcore>, window_params = [{transform_indices = #map}, {transform_indices = #map1}, {transform_indices = #map1}, {transform_indices = #map2}]} {
    %broadcast_in_dim3A = arith.constant 0.000000e+00 : f32
    %broadcast_in_dim3A_0 = vector.broadcast %broadcast_in_dim3A : f32 to vector<16xf32>
    %scan3A = arith.constant 0 : i32
    %scan3A_1 = arith.constant 128 : i32
    %scan3A_2 = arith.addi %scan3A, %scan3A_1 : i32
    %scan3A_3 = arith.constant 1 : i32
    scf.for %scan3A_22 = %scan3A to %scan3A_2 step %scan3A_3  : i32 {
      %mul3A_23 = arith.constant 1 : i32
      %mul3A_24 = arith.muli %scan3A_22, %mul3A_23 : i32
      %add3A = arith.constant 0 : i32
      %add3A_25 = arith.addi %add3A, %mul3A_24 : i32
      %scan3A_26 = arith.constant 0 : i32
      %scan3A_27 = arith.constant 8 : i32
      %scan3A_28 = arith.addi %scan3A_26, %scan3A_27 : i32
      %scan3A_29 = arith.constant 1 : i32
      scf.for %scan3A_31 = %scan3A_26 to %scan3A_28 step %scan3A_29  : i32 {
        %mul3A_32 = arith.constant 16 : i32
        %mul3A_33 = arith.muli %scan3A_31, %mul3A_32 : i32
        %add3A_34 = arith.constant 0 : i32
        %add3A_35 = arith.addi %add3A_34, %mul3A_33 : i32
        %swap3A = arith.index_cast %add3A_25 : i32 to index
        %swap3A_36 = arith.index_cast %add3A_35 : i32 to index
        %swap3A_37 = tpu.vector_load %arg8[%swap3A, %swap3A_36] {strides = array<i32>} : memref<128x128xf32, #tpu.memory_space<vmem>>, vector<1x16xf32>,
        %swap3A_38 = vector.shape_cast %swap3A_37 : vector<1x16xf32> to vector<16xf32>
        %swap3A_39 = vector.shape_cast %broadcast_in_dim3A_0 : vector<16xf32> to vector<1x16xf32>
        tpu.vector_store %arg8[%swap3A, %swap3A_36], %swap3A_39 {strides = array<i32>} : memref<128x128xf32, #tpu.memory_space<vmem>>, vector<1x16xf32>,
      }
      %scan3A_30 = arith.constant 8 : i32
    }
    %scan3A_4 = arith.constant 128 : i32
    %mul3A = arith.constant 640 : i32
    %mul3A_5 = arith.muli %arg1, %mul3A : i32
    %scan3A_6 = arith.constant 0 : i32
    %scan3A_7 = arith.constant 5 : i32
    %scan3A_8 = arith.addi %scan3A_6, %scan3A_7 : i32
    %scan3A_9 = arith.constant 1 : i32
    scf.for %scan3A_22 = %scan3A_6 to %scan3A_8 step %scan3A_9  : i32 {
      %mul3A_23 = arith.constant 128 : i32
      %mul3A_24 = arith.muli %scan3A_22, %mul3A_23 : i32
      %add3A = arith.constant 0 : i32
      %add3A_25 = arith.addi %add3A, %mul3A_24 : i32
      %add3A_26 = arith.addi %mul3A_5, %add3A_25 : i32
      "tpu.region"() ({
        %run_scoped3A = tpu.sem_alloc : memref<!tpu.dma_semaphore, #tpu.memory_space<semaphore_mem>>
        %dma_start3A = arith.constant 0 : i32
        %dma_start3A_27 = tpu.memref_slice %arg10[%add3A_26, %dma_start3A] : memref<10240x128xf32, #tpu.memory_space<vmem_shared>> -> memref<128x128xf32, #tpu.memory_space<vmem_shared>>
        %dma_start3A_28 = arith.constant 0 : i32
        %dma_start3A_29 = tpu.memref_slice %arg10[%add3A_26, %dma_start3A_28] : memref<10240x128xf32, #tpu.memory_space<vmem_shared>> -> memref<128x128xf32, #tpu.memory_space<vmem_shared>>
        tpu.enqueue_dma source(%arg8 : memref<128x128xf32, #tpu.memory_space<vmem>>) target(%dma_start3A_29 : memref<128x128xf32, #tpu.memory_space<vmem_shared>>) target_semaphore(%run_scoped3A : memref<!tpu.dma_semaphore, #tpu.memory_space<semaphore_mem>>)
        %dma_wait3A = arith.constant 0 : i32
        %dma_wait3A_30 = tpu.memref_slice %arg10[%add3A_26, %dma_wait3A] : memref<10240x128xf32, #tpu.memory_space<vmem_shared>> -> memref<128x128xf32, #tpu.memory_space<vmem_shared>>
        %dma_wait3A_31 = arith.constant 0 : i32
        %dma_wait3A_32 = tpu.memref_slice %arg10[%add3A_26, %dma_wait3A_31] : memref<10240x128xf32, #tpu.memory_space<vmem_shared>> -> memref<128x128xf32, #tpu.memory_space<vmem_shared>>
        tpu.wait_dma2 semaphore(%run_scoped3A : memref<!tpu.dma_semaphore, #tpu.memory_space<semaphore_mem>>) src(%arg8 : memref<128x128xf32, #tpu.memory_space<vmem>>) dst(%dma_wait3A_32 : memref<128x128xf32, #tpu.memory_space<vmem_shared>>)
        tpu.yield
      }) : () -> ()
    }
    %scan3A_10 = arith.constant 5 : i32
    %barrier3A = arith.constant 0 : index
    tpu.barrier barrier_id(%barrier3A)
    %scan3A_11 = arith.constant 0 : i32
    %scan3A_12 = arith.constant 40 : i32
    %scan3A_13 = arith.addi %scan3A_11, %scan3A_12 : i32
    %scan3A_14 = arith.constant 1 : i32
    scf.for %scan3A_22 = %scan3A_11 to %scan3A_13 step %scan3A_14  : i32 {
      %mul3A_23 = arith.constant 2 : i32
      %mul3A_24 = arith.muli %scan3A_22, %mul3A_23 : i32
      %add3A = arith.constant 0 : i32
      %add3A_25 = arith.addi %add3A, %mul3A_24 : i32
      "tpu.region"() ({
        %run_scoped3A_53 = tpu.sem_alloc : memref<!tpu.dma_semaphore, #tpu.memory_space<semaphore_mem>>
        %dma_start3A_54 = arith.constant 0 : i32
        %dma_start3A_55 = tpu.memref_slice %arg3[%arg0, %arg1, %add3A_25, %dma_start3A_54] : memref<2x16x80x128xi32, #tpu.memory_space<hbm>> -> memref<1x1x2x128xi32, #tpu.memory_space<hbm>>
        %dma_start3A_56 = tpu.memref_squeeze %dma_start3A_55 : memref<1x1x2x128xi32, #tpu.memory_space<hbm>> -> memref<2x128xi32, #tpu.memory_space<hbm>>
        %dma_start3A_57 = arith.constant 0 : i32
        %dma_start3A_58 = tpu.memref_slice %arg3[%arg0, %arg1, %add3A_25, %dma_start3A_57] : memref<2x16x80x128xi32, #tpu.memory_space<hbm>> -> memref<1x1x2x128xi32, #tpu.memory_space<hbm>>
        %dma_start3A_59 = tpu.memref_squeeze %dma_start3A_58 : memref<1x1x2x128xi32, #tpu.memory_space<hbm>> -> memref<2x128xi32, #tpu.memory_space<hbm>>
        tpu.enqueue_dma source(%dma_start3A_59 : memref<2x128xi32, #tpu.memory_space<hbm>>) target(%arg6 : memref<2x128xi32, #tpu.memory_space<vmem>>) target_semaphore(%run_scoped3A_53 : memref<!tpu.dma_semaphore, #tpu.memory_space<semaphore_mem>>)
        %dma_wait3A_60 = arith.constant 0 : i32
        %dma_wait3A_61 = tpu.memref_slice %arg3[%arg0, %arg1, %add3A_25, %dma_wait3A_60] : memref<2x16x80x128xi32, #tpu.memory_space<hbm>> -> memref<1x1x2x128xi32, #tpu.memory_space<hbm>>
        %dma_wait3A_62 = tpu.memref_squeeze %dma_wait3A_61 : memref<1x1x2x128xi32, #tpu.memory_space<hbm>> -> memref<2x128xi32, #tpu.memory_space<hbm>>
        %dma_wait3A_63 = arith.constant 0 : i32
        %dma_wait3A_64 = tpu.memref_slice %arg3[%arg0, %arg1, %add3A_25, %dma_wait3A_63] : memref<2x16x80x128xi32, #tpu.memory_space<hbm>> -> memref<1x1x2x128xi32, #tpu.memory_space<hbm>>
        %dma_wait3A_65 = tpu.memref_squeeze %dma_wait3A_64 : memref<1x1x2x128xi32, #tpu.memory_space<hbm>> -> memref<2x128xi32, #tpu.memory_space<hbm>>
        tpu.wait_dma2 semaphore(%run_scoped3A_53 : memref<!tpu.dma_semaphore, #tpu.memory_space<semaphore_mem>>) src(%dma_wait3A_65 : memref<2x128xi32, #tpu.memory_space<hbm>>) dst(%arg6 : memref<2x128xi32, #tpu.memory_space<vmem>>)
        tpu.yield
      }) : () -> ()
      "tpu.region"() ({
        %run_scoped3A_53 = tpu.sem_alloc : memref<!tpu.dma_semaphore, #tpu.memory_space<semaphore_mem>>
        %dma_start3A_54 = arith.constant 0 : i32
        %dma_start3A_55 = tpu.memref_slice %arg4[%arg0, %arg1, %add3A_25, %dma_start3A_54] : memref<2x16x80x128xi32, #tpu.memory_space<hbm>> -> memref<1x1x2x128xi32, #tpu.memory_space<hbm>>
        %dma_start3A_56 = tpu.memref_squeeze %dma_start3A_55 : memref<1x1x2x128xi32, #tpu.memory_space<hbm>> -> memref<2x128xi32, #tpu.memory_space<hbm>>
        %dma_start3A_57 = arith.constant 0 : i32
        %dma_start3A_58 = tpu.memref_slice %arg4[%arg0, %arg1, %add3A_25, %dma_start3A_57] : memref<2x16x80x128xi32, #tpu.memory_space<hbm>> -> memref<1x1x2x128xi32, #tpu.memory_space<hbm>>
        %dma_start3A_59 = tpu.memref_squeeze %dma_start3A_58 : memref<1x1x2x128xi32, #tpu.memory_space<hbm>> -> memref<2x128xi32, #tpu.memory_space<hbm>>
        tpu.enqueue_dma source(%dma_start3A_59 : memref<2x128xi32, #tpu.memory_space<hbm>>) target(%arg7 : memref<2x128xi32, #tpu.memory_space<vmem>>) target_semaphore(%run_scoped3A_53 : memref<!tpu.dma_semaphore, #tpu.memory_space<semaphore_mem>>)
        %dma_wait3A_60 = arith.constant 0 : i32
        %dma_wait3A_61 = tpu.memref_slice %arg4[%arg0, %arg1, %add3A_25, %dma_wait3A_60] : memref<2x16x80x128xi32, #tpu.memory_space<hbm>> -> memref<1x1x2x128xi32, #tpu.memory_space<hbm>>
        %dma_wait3A_62 = tpu.memref_squeeze %dma_wait3A_61 : memref<1x1x2x128xi32, #tpu.memory_space<hbm>> -> memref<2x128xi32, #tpu.memory_space<hbm>>
        %dma_wait3A_63 = arith.constant 0 : i32
        %dma_wait3A_64 = tpu.memref_slice %arg4[%arg0, %arg1, %add3A_25, %dma_wait3A_63] : memref<2x16x80x128xi32, #tpu.memory_space<hbm>> -> memref<1x1x2x128xi32, #tpu.memory_space<hbm>>
        %dma_wait3A_65 = tpu.memref_squeeze %dma_wait3A_64 : memref<1x1x2x128xi32, #tpu.memory_space<hbm>> -> memref<2x128xi32, #tpu.memory_space<hbm>>
        tpu.wait_dma2 semaphore(%run_scoped3A_53 : memref<!tpu.dma_semaphore, #tpu.memory_space<semaphore_mem>>) src(%dma_wait3A_65 : memref<2x128xi32, #tpu.memory_space<hbm>>) dst(%arg7 : memref<2x128xi32, #tpu.memory_space<vmem>>)
        tpu.yield
      }) : () -> ()
      %dma_start3A = arith.constant 0 : i32
      %dma_start3A_26 = arith.constant 0 : i32
      %dma_start3A_27 = tpu.memref_slice %arg6[%dma_start3A, %dma_start3A_26] : memref<2x128xi32, #tpu.memory_space<vmem>> -> memref<1x128xi32, #tpu.memory_space<vmem>>
      %dma_start3A_28 = tpu.memref_squeeze %dma_start3A_27 : memref<1x128xi32, #tpu.memory_space<vmem>> -> memref<128xi32, #tpu.memory_space<vmem>>
      %dma_start3A_29 = arith.constant 0 : i32
      %dma_start3A_30 = arith.constant 0 : i32
      %dma_start3A_31 = tpu.memref_slice %arg2[%dma_start3A_29, %dma_start3A_30] : memref<10000x128xf32, #tpu.memory_space<hbm>> -> memref<10000x128xf32, #tpu.memory_space<hbm>>
      tpu.enqueue_indirect_dma source(%dma_start3A_31 : memref<10000x128xf32, #tpu.memory_space<hbm>>) target(%arg8 : memref<128x128xf32, #tpu.memory_space<vmem>>) offsets(%dma_start3A_28 : memref<128xi32, #tpu.memory_space<vmem>>) semaphore(%arg11 : memref<!tpu.dma_semaphore, #tpu.memory_space<semaphore_mem>>)
      %dma_start3A_32 = arith.constant 1 : i32
      %dma_start3A_33 = arith.constant 0 : i32
      %dma_start3A_34 = tpu.memref_slice %arg6[%dma_start3A_32, %dma_start3A_33] : memref<2x128xi32, #tpu.memory_space<vmem>> -> memref<1x128xi32, #tpu.memory_space<vmem>>
      %dma_start3A_35 = tpu.memref_squeeze %dma_start3A_34 : memref<1x128xi32, #tpu.memory_space<vmem>> -> memref<128xi32, #tpu.memory_space<vmem>>
      %dma_start3A_36 = arith.constant 0 : i32
      %dma_start3A_37 = arith.constant 0 : i32
      %dma_start3A_38 = tpu.memref_slice %arg2[%dma_start3A_36, %dma_start3A_37] : memref<10000x128xf32, #tpu.memory_space<hbm>> -> memref<10000x128xf32, #tpu.memory_space<hbm>>
      tpu.enqueue_indirect_dma source(%dma_start3A_38 : memref<10000x128xf32, #tpu.memory_space<hbm>>) target(%arg9 : memref<128x128xf32, #tpu.memory_space<vmem>>) offsets(%dma_start3A_35 : memref<128xi32, #tpu.memory_space<vmem>>) semaphore(%arg12 : memref<!tpu.dma_semaphore, #tpu.memory_space<semaphore_mem>>)
      %dma_wait3A = arith.constant 0 : i32
      %dma_wait3A_39 = arith.constant 0 : i32
      %dma_wait3A_40 = tpu.memref_slice %arg6[%dma_wait3A, %dma_wait3A_39] : memref<2x128xi32, #tpu.memory_space<vmem>> -> memref<1x128xi32, #tpu.memory_space<vmem>>
      %dma_wait3A_41 = tpu.memref_squeeze %dma_wait3A_40 : memref<1x128xi32, #tpu.memory_space<vmem>> -> memref<128xi32, #tpu.memory_space<vmem>>
      %dma_wait3A_42 = arith.constant 0 : i32
      %dma_wait3A_43 = arith.constant 0 : i32
      %dma_wait3A_44 = tpu.memref_slice %arg2[%dma_wait3A_42, %dma_wait3A_43] : memref<10000x128xf32, #tpu.memory_space<hbm>> -> memref<10000x128xf32, #tpu.memory_space<hbm>>
      tpu.wait_indirect_dma semaphore(%arg11 : memref<!tpu.dma_semaphore, #tpu.memory_space<semaphore_mem>>) src(%dma_wait3A_44 : memref<10000x128xf32, #tpu.memory_space<hbm>>) dst(%arg8 : memref<128x128xf32, #tpu.memory_space<vmem>>)
      %run_scoped3A = arith.constant 0 : i32
      "tpu.region"() ({
        %run_scoped3A_53 = tpu.sem_alloc : memref<!tpu.dma_semaphore, #tpu.memory_space<semaphore_mem>>
        %dma_start3A_54 = arith.constant 0 : i32
        %dma_start3A_55 = tpu.memref_slice %arg7[%run_scoped3A, %dma_start3A_54] : memref<2x128xi32, #tpu.memory_space<vmem>> -> memref<1x128xi32, #tpu.memory_space<vmem>>
        %dma_start3A_56 = tpu.memref_squeeze %dma_start3A_55 : memref<1x128xi32, #tpu.memory_space<vmem>> -> memref<128xi32, #tpu.memory_space<vmem>>
        %dma_start3A_57 = arith.constant 0 : i32
        %dma_start3A_58 = arith.constant 0 : i32
        %dma_start3A_59 = tpu.memref_slice %arg10[%dma_start3A_57, %dma_start3A_58] : memref<10240x128xf32, #tpu.memory_space<vmem_shared>> -> memref<10240x128xf32, #tpu.memory_space<vmem_shared>>
        tpu.enqueue_indirect_dma source(%arg8 : memref<128x128xf32, #tpu.memory_space<vmem>>) target(%dma_start3A_59 : memref<10240x128xf32, #tpu.memory_space<vmem_shared>>) offsets(%dma_start3A_56 : memref<128xi32, #tpu.memory_space<vmem>>) semaphore(%run_scoped3A_53 : memref<!tpu.dma_semaphore, #tpu.memory_space<semaphore_mem>>) {add = true}
        %dma_wait3A_60 = arith.constant 0 : i32
        %dma_wait3A_61 = tpu.memref_slice %arg7[%run_scoped3A, %dma_wait3A_60] : memref<2x128xi32, #tpu.memory_space<vmem>> -> memref<1x128xi32, #tpu.memory_space<vmem>>
        %dma_wait3A_62 = tpu.memref_squeeze %dma_wait3A_61 : memref<1x128xi32, #tpu.memory_space<vmem>> -> memref<128xi32, #tpu.memory_space<vmem>>
        %dma_wait3A_63 = arith.constant 0 : i32
        %dma_wait3A_64 = arith.constant 0 : i32
        %dma_wait3A_65 = tpu.memref_slice %arg10[%dma_wait3A_63, %dma_wait3A_64] : memref<10240x128xf32, #tpu.memory_space<vmem_shared>> -> memref<10240x128xf32, #tpu.memory_space<vmem_shared>>
        tpu.wait_indirect_dma semaphore(%run_scoped3A_53 : memref<!tpu.dma_semaphore, #tpu.memory_space<semaphore_mem>>) src(%arg8 : memref<128x128xf32, #tpu.memory_space<vmem>>) dst(%dma_wait3A_65 : memref<10240x128xf32, #tpu.memory_space<vmem_shared>>)
        tpu.yield
      }) : () -> ()
      %dma_wait3A_45 = arith.constant 1 : i32
      %dma_wait3A_46 = arith.constant 0 : i32
      %dma_wait3A_47 = tpu.memref_slice %arg6[%dma_wait3A_45, %dma_wait3A_46] : memref<2x128xi32, #tpu.memory_space<vmem>> -> memref<1x128xi32, #tpu.memory_space<vmem>>
      %dma_wait3A_48 = tpu.memref_squeeze %dma_wait3A_47 : memref<1x128xi32, #tpu.memory_space<vmem>> -> memref<128xi32, #tpu.memory_space<vmem>>
      %dma_wait3A_49 = arith.constant 0 : i32
      %dma_wait3A_50 = arith.constant 0 : i32
      %dma_wait3A_51 = tpu.memref_slice %arg2[%dma_wait3A_49, %dma_wait3A_50] : memref<10000x128xf32, #tpu.memory_space<hbm>> -> memref<10000x128xf32, #tpu.memory_space<hbm>>
      tpu.wait_indirect_dma semaphore(%arg12 : memref<!tpu.dma_semaphore, #tpu.memory_space<semaphore_mem>>) src(%dma_wait3A_51 : memref<10000x128xf32, #tpu.memory_space<hbm>>) dst(%arg9 : memref<128x128xf32, #tpu.memory_space<vmem>>)
      %run_scoped3A_52 = arith.constant 1 : i32
      "tpu.region"() ({
        %run_scoped3A_53 = tpu.sem_alloc : memref<!tpu.dma_semaphore, #tpu.memory_space<semaphore_mem>>
        %dma_start3A_54 = arith.constant 0 : i32
        %dma_start3A_55 = tpu.memref_slice %arg7[%run_scoped3A_52, %dma_start3A_54] : memref<2x128xi32, #tpu.memory_space<vmem>> -> memref<1x128xi32, #tpu.memory_space<vmem>>
        %dma_start3A_56 = tpu.memref_squeeze %dma_start3A_55 : memref<1x128xi32, #tpu.memory_space<vmem>> -> memref<128xi32, #tpu.memory_space<vmem>>
        %dma_start3A_57 = arith.constant 0 : i32
        %dma_start3A_58 = arith.constant 0 : i32
        %dma_start3A_59 = tpu.memref_slice %arg10[%dma_start3A_57, %dma_start3A_58] : memref<10240x128xf32, #tpu.memory_space<vmem_shared>> -> memref<10240x128xf32, #tpu.memory_space<vmem_shared>>
        tpu.enqueue_indirect_dma source(%arg9 : memref<128x128xf32, #tpu.memory_space<vmem>>) target(%dma_start3A_59 : memref<10240x128xf32, #tpu.memory_space<vmem_shared>>) offsets(%dma_start3A_56 : memref<128xi32, #tpu.memory_space<vmem>>) semaphore(%run_scoped3A_53 : memref<!tpu.dma_semaphore, #tpu.memory_space<semaphore_mem>>) {add = true}
        %dma_wait3A_60 = arith.constant 0 : i32
        %dma_wait3A_61 = tpu.memref_slice %arg7[%run_scoped3A_52, %dma_wait3A_60] : memref<2x128xi32, #tpu.memory_space<vmem>> -> memref<1x128xi32, #tpu.memory_space<vmem>>
        %dma_wait3A_62 = tpu.memref_squeeze %dma_wait3A_61 : memref<1x128xi32, #tpu.memory_space<vmem>> -> memref<128xi32, #tpu.memory_space<vmem>>
        %dma_wait3A_63 = arith.constant 0 : i32
        %dma_wait3A_64 = arith.constant 0 : i32
        %dma_wait3A_65 = tpu.memref_slice %arg10[%dma_wait3A_63, %dma_wait3A_64] : memref<10240x128xf32, #tpu.memory_space<vmem_shared>> -> memref<10240x128xf32, #tpu.memory_space<vmem_shared>>
        tpu.wait_indirect_dma semaphore(%run_scoped3A_53 : memref<!tpu.dma_semaphore, #tpu.memory_space<semaphore_mem>>) src(%arg9 : memref<128x128xf32, #tpu.memory_space<vmem>>) dst(%dma_wait3A_65 : memref<10240x128xf32, #tpu.memory_space<vmem_shared>>)
        tpu.yield
      }) : () -> ()
    }
    %scan3A_15 = arith.constant 40 : i32
    %barrier3A_16 = arith.constant 0 : index
    tpu.barrier barrier_id(%barrier3A_16)
    %scan3A_17 = arith.constant 0 : i32
    %scan3A_18 = arith.constant 5 : i32
    %scan3A_19 = arith.addi %scan3A_17, %scan3A_18 : i32
    %scan3A_20 = arith.constant 1 : i32
    scf.for %scan3A_22 = %scan3A_17 to %scan3A_19 step %scan3A_20  : i32 {
      %mul3A_23 = arith.constant 128 : i32
      %mul3A_24 = arith.muli %scan3A_22, %mul3A_23 : i32
      %add3A = arith.constant 0 : i32
      %add3A_25 = arith.addi %add3A, %mul3A_24 : i32
      %add3A_26 = arith.addi %mul3A_5, %add3A_25 : i32
      %add3A_27 = arith.addi %mul3A_5, %add3A_25 : i32
      "tpu.region"() ({
        %run_scoped3A = tpu.sem_alloc : memref<!tpu.dma_semaphore, #tpu.memory_space<semaphore_mem>>
        %dma_start3A = arith.constant 0 : i32
        %dma_start3A_28 = tpu.memref_slice %arg5[%arg0, %add3A_27, %dma_start3A] : memref<2x10240x128xf32, #tpu.memory_space<hbm>> -> memref<1x128x128xf32, #tpu.memory_space<hbm>>
        %dma_start3A_29 = tpu.memref_squeeze %dma_start3A_28 : memref<1x128x128xf32, #tpu.memory_space<hbm>> -> memref<128x128xf32, #tpu.memory_space<hbm>>
        %dma_start3A_30 = arith.constant 0 : i32
        %dma_start3A_31 = tpu.memref_slice %arg10[%add3A_26, %dma_start3A_30] : memref<10240x128xf32, #tpu.memory_space<vmem_shared>> -> memref<128x128xf32, #tpu.memory_space<vmem_shared>>
        tpu.enqueue_dma source(%dma_start3A_31 : memref<128x128xf32, #tpu.memory_space<vmem_shared>>) target(%dma_start3A_29 : memref<128x128xf32, #tpu.memory_space<hbm>>) target_semaphore(%run_scoped3A : memref<!tpu.dma_semaphore, #tpu.memory_space<semaphore_mem>>)
        %dma_wait3A = arith.constant 0 : i32
        %dma_wait3A_32 = tpu.memref_slice %arg5[%arg0, %add3A_27, %dma_wait3A] : memref<2x10240x128xf32, #tpu.memory_space<hbm>> -> memref<1x128x128xf32, #tpu.memory_space<hbm>>
        %dma_wait3A_33 = tpu.memref_squeeze %dma_wait3A_32 : memref<1x128x128xf32, #tpu.memory_space<hbm>> -> memref<128x128xf32, #tpu.memory_space<hbm>>
        %dma_wait3A_34 = arith.constant 0 : i32
        %dma_wait3A_35 = tpu.memref_slice %arg10[%add3A_26, %dma_wait3A_34] : memref<10240x128xf32, #tpu.memory_space<vmem_shared>> -> memref<128x128xf32, #tpu.memory_space<vmem_shared>>
        tpu.wait_dma2 semaphore(%run_scoped3A : memref<!tpu.dma_semaphore, #tpu.memory_space<semaphore_mem>>) src(%dma_wait3A_35 : memref<128x128xf32, #tpu.memory_space<vmem_shared>>) dst(%dma_wait3A_33 : memref<128x128xf32, #tpu.memory_space<hbm>>)
        tpu.yield
      }) : () -> ()
    }
    %scan3A_21 = arith.constant 5 : i32
    return
  }
}

#map = affine_map<(d0, d1) -> (0, 0)>
#map1 = affine_map<(d0, d1) -> (0, 0, 0, 0)>
#map2 = affine_map<(d0, d1) -> (0, 0, 0)>
module attributes {stable_mosaic.version = 14 : i64} {
  func.func @k(%arg0: i32, %arg1: i32, %arg2: memref<10000x128xf32, #tpu.memory_space<hbm>>, %arg3: memref<2x16x80x128xi32, #tpu.memory_space<hbm>>, %arg4: memref<2x16x80x128xi32, #tpu.memory_space<hbm>>, %arg5: memref<2x10240x128xf32, #tpu.memory_space<hbm>>, %arg6: memref<2x128xi32, #tpu.memory_space<vmem>>, %arg7: memref<2x128xi32, #tpu.memory_space<vmem>>, %arg8: memref<128x128xf32, #tpu.memory_space<vmem>>, %arg9: memref<128x128xf32, #tpu.memory_space<vmem>>, %arg10: memref<10240x128xf32, #tpu.memory_space<vmem_shared>>, %arg11: memref<!tpu.dma_semaphore, #tpu.memory_space<semaphore_mem>>, %arg12: memref<!tpu.dma_semaphore, #tpu.memory_space<semaphore_mem>>) attributes {dimension_semantics = [#tpu.dimension_semantics<core_parallel>, #tpu.dimension_semantics<subcore_parallel>], iteration_bounds = array<i64: 2, 16>, scalar_prefetch = 0 : i64, scratch_operands = 7 : i64, tpu.core_type = #tpu.core_type<sc_vector_subcore>, window_params = [{transform_indices = #map}, {transform_indices = #map1}, {transform_indices = #map1}, {transform_indices = #map2}]} {
    %broadcast_in_dim3A = arith.constant 0.000000e+00 : f32
    %broadcast_in_dim3A_0 = vector.broadcast %broadcast_in_dim3A : f32 to vector<16xf32>
    %scan3A = arith.constant 0 : i32
    %scan3A_1 = arith.constant 128 : i32
    %scan3A_2 = arith.addi %scan3A, %scan3A_1 : i32
    %scan3A_3 = arith.constant 1 : i32
    scf.for %scan3A_22 = %scan3A to %scan3A_2 step %scan3A_3  : i32 {
      %mul3A_23 = arith.constant 1 : i32
      %mul3A_24 = arith.muli %scan3A_22, %mul3A_23 : i32
      %add3A = arith.constant 0 : i32
      %add3A_25 = arith.addi %add3A, %mul3A_24 : i32
      %scan3A_26 = arith.constant 0 : i32
      %scan3A_27 = arith.constant 8 : i32
      %scan3A_28 = arith.addi %scan3A_26, %scan3A_27 : i32
      %scan3A_29 = arith.constant 1 : i32
      scf.for %scan3A_31 = %scan3A_26 to %scan3A_28 step %scan3A_29  : i32 {
        %mul3A_32 = arith.constant 16 : i32
        %mul3A_33 = arith.muli %scan3A_31, %mul3A_32 : i32
        %add3A_34 = arith.constant 0 : i32
        %add3A_35 = arith.addi %add3A_34, %mul3A_33 : i32
        %swap3A = arith.index_cast %add3A_25 : i32 to index
        %swap3A_36 = arith.index_cast %add3A_35 : i32 to index
        %swap3A_37 = tpu.vector_load %arg8[%swap3A, %swap3A_36] {strides = array<i32>} : memref<128x128xf32, #tpu.memory_space<vmem>>, vector<1x16xf32>,
        %swap3A_38 = vector.shape_cast %swap3A_37 : vector<1x16xf32> to vector<16xf32>
        %swap3A_39 = vector.shape_cast %broadcast_in_dim3A_0 : vector<16xf32> to vector<1x16xf32>
        tpu.vector_store %arg8[%swap3A, %swap3A_36], %swap3A_39 {strides = array<i32>} : memref<128x128xf32, #tpu.memory_space<vmem>>, vector<1x16xf32>,
      }
      %scan3A_30 = arith.constant 8 : i32
    }
    %scan3A_4 = arith.constant 128 : i32
    %mul3A = arith.constant 640 : i32
    %mul3A_5 = arith.muli %arg1, %mul3A : i32
    %scan3A_6 = arith.constant 0 : i32
    %scan3A_7 = arith.constant 5 : i32
    %scan3A_8 = arith.addi %scan3A_6, %scan3A_7 : i32
    %scan3A_9 = arith.constant 1 : i32
    scf.for %scan3A_22 = %scan3A_6 to %scan3A_8 step %scan3A_9  : i32 {
      %mul3A_23 = arith.constant 128 : i32
      %mul3A_24 = arith.muli %scan3A_22, %mul3A_23 : i32
      %add3A = arith.constant 0 : i32
      %add3A_25 = arith.addi %add3A, %mul3A_24 : i32
      %add3A_26 = arith.addi %mul3A_5, %add3A_25 : i32
      "tpu.region"() ({
        %run_scoped3A = tpu.sem_alloc : memref<!tpu.dma_semaphore, #tpu.memory_space<semaphore_mem>>
        %dma_start3A = arith.constant 0 : i32
        %dma_start3A_27 = tpu.memref_slice %arg10[%add3A_26, %dma_start3A] : memref<10240x128xf32, #tpu.memory_space<vmem_shared>> -> memref<128x128xf32, #tpu.memory_space<vmem_shared>>
        %dma_start3A_28 = arith.constant 0 : i32
        %dma_start3A_29 = tpu.memref_slice %arg10[%add3A_26, %dma_start3A_28] : memref<10240x128xf32, #tpu.memory_space<vmem_shared>> -> memref<128x128xf32, #tpu.memory_space<vmem_shared>>
        tpu.enqueue_dma source(%arg8 : memref<128x128xf32, #tpu.memory_space<vmem>>) target(%dma_start3A_29 : memref<128x128xf32, #tpu.memory_space<vmem_shared>>) target_semaphore(%run_scoped3A : memref<!tpu.dma_semaphore, #tpu.memory_space<semaphore_mem>>)
        %dma_wait3A = arith.constant 0 : i32
        %dma_wait3A_30 = tpu.memref_slice %arg10[%add3A_26, %dma_wait3A] : memref<10240x128xf32, #tpu.memory_space<vmem_shared>> -> memref<128x128xf32, #tpu.memory_space<vmem_shared>>
        %dma_wait3A_31 = arith.constant 0 : i32
        %dma_wait3A_32 = tpu.memref_slice %arg10[%add3A_26, %dma_wait3A_31] : memref<10240x128xf32, #tpu.memory_space<vmem_shared>> -> memref<128x128xf32, #tpu.memory_space<vmem_shared>>
        tpu.wait_dma2 semaphore(%run_scoped3A : memref<!tpu.dma_semaphore, #tpu.memory_space<semaphore_mem>>) src(%arg8 : memref<128x128xf32, #tpu.memory_space<vmem>>) dst(%dma_wait3A_32 : memref<128x128xf32, #tpu.memory_space<vmem_shared>>)
        tpu.yield
      }) : () -> ()
    }
    %scan3A_10 = arith.constant 5 : i32
    %barrier3A = arith.constant 0 : index
    tpu.barrier barrier_id(%barrier3A)
    %scan3A_11 = arith.constant 0 : i32
    %scan3A_12 = arith.constant 40 : i32
    %scan3A_13 = arith.addi %scan3A_11, %scan3A_12 : i32
    %scan3A_14 = arith.constant 1 : i32
    scf.for %scan3A_22 = %scan3A_11 to %scan3A_13 step %scan3A_14  : i32 {
      %mul3A_23 = arith.constant 2 : i32
      %mul3A_24 = arith.muli %scan3A_22, %mul3A_23 : i32
      %add3A = arith.constant 0 : i32
      %add3A_25 = arith.addi %add3A, %mul3A_24 : i32
      "tpu.region"() ({
        %run_scoped3A_53 = tpu.sem_alloc : memref<!tpu.dma_semaphore, #tpu.memory_space<semaphore_mem>>
        %dma_start3A_54 = arith.constant 0 : i32
        %dma_start3A_55 = tpu.memref_slice %arg3[%arg0, %arg1, %add3A_25, %dma_start3A_54] : memref<2x16x80x128xi32, #tpu.memory_space<hbm>> -> memref<1x1x2x128xi32, #tpu.memory_space<hbm>>
        %dma_start3A_56 = tpu.memref_squeeze %dma_start3A_55 : memref<1x1x2x128xi32, #tpu.memory_space<hbm>> -> memref<2x128xi32, #tpu.memory_space<hbm>>
        %dma_start3A_57 = arith.constant 0 : i32
        %dma_start3A_58 = tpu.memref_slice %arg3[%arg0, %arg1, %add3A_25, %dma_start3A_57] : memref<2x16x80x128xi32, #tpu.memory_space<hbm>> -> memref<1x1x2x128xi32, #tpu.memory_space<hbm>>
        %dma_start3A_59 = tpu.memref_squeeze %dma_start3A_58 : memref<1x1x2x128xi32, #tpu.memory_space<hbm>> -> memref<2x128xi32, #tpu.memory_space<hbm>>
        tpu.enqueue_dma source(%dma_start3A_59 : memref<2x128xi32, #tpu.memory_space<hbm>>) target(%arg6 : memref<2x128xi32, #tpu.memory_space<vmem>>) target_semaphore(%run_scoped3A_53 : memref<!tpu.dma_semaphore, #tpu.memory_space<semaphore_mem>>)
        %dma_wait3A_60 = arith.constant 0 : i32
        %dma_wait3A_61 = tpu.memref_slice %arg3[%arg0, %arg1, %add3A_25, %dma_wait3A_60] : memref<2x16x80x128xi32, #tpu.memory_space<hbm>> -> memref<1x1x2x128xi32, #tpu.memory_space<hbm>>
        %dma_wait3A_62 = tpu.memref_squeeze %dma_wait3A_61 : memref<1x1x2x128xi32, #tpu.memory_space<hbm>> -> memref<2x128xi32, #tpu.memory_space<hbm>>
        %dma_wait3A_63 = arith.constant 0 : i32
        %dma_wait3A_64 = tpu.memref_slice %arg3[%arg0, %arg1, %add3A_25, %dma_wait3A_63] : memref<2x16x80x128xi32, #tpu.memory_space<hbm>> -> memref<1x1x2x128xi32, #tpu.memory_space<hbm>>
        %dma_wait3A_65 = tpu.memref_squeeze %dma_wait3A_64 : memref<1x1x2x128xi32, #tpu.memory_space<hbm>> -> memref<2x128xi32, #tpu.memory_space<hbm>>
        tpu.wait_dma2 semaphore(%run_scoped3A_53 : memref<!tpu.dma_semaphore, #tpu.memory_space<semaphore_mem>>) src(%dma_wait3A_65 : memref<2x128xi32, #tpu.memory_space<hbm>>) dst(%arg6 : memref<2x128xi32, #tpu.memory_space<vmem>>)
        tpu.yield
      }) : () -> ()
      "tpu.region"() ({
        %run_scoped3A_53 = tpu.sem_alloc : memref<!tpu.dma_semaphore, #tpu.memory_space<semaphore_mem>>
        %dma_start3A_54 = arith.constant 0 : i32
        %dma_start3A_55 = tpu.memref_slice %arg4[%arg0, %arg1, %add3A_25, %dma_start3A_54] : memref<2x16x80x128xi32, #tpu.memory_space<hbm>> -> memref<1x1x2x128xi32, #tpu.memory_space<hbm>>
        %dma_start3A_56 = tpu.memref_squeeze %dma_start3A_55 : memref<1x1x2x128xi32, #tpu.memory_space<hbm>> -> memref<2x128xi32, #tpu.memory_space<hbm>>
        %dma_start3A_57 = arith.constant 0 : i32
        %dma_start3A_58 = tpu.memref_slice %arg4[%arg0, %arg1, %add3A_25, %dma_start3A_57] : memref<2x16x80x128xi32, #tpu.memory_space<hbm>> -> memref<1x1x2x128xi32, #tpu.memory_space<hbm>>
        %dma_start3A_59 = tpu.memref_squeeze %dma_start3A_58 : memref<1x1x2x128xi32, #tpu.memory_space<hbm>> -> memref<2x128xi32, #tpu.memory_space<hbm>>
        tpu.enqueue_dma source(%dma_start3A_59 : memref<2x128xi32, #tpu.memory_space<hbm>>) target(%arg7 : memref<2x128xi32, #tpu.memory_space<vmem>>) target_semaphore(%run_scoped3A_53 : memref<!tpu.dma_semaphore, #tpu.memory_space<semaphore_mem>>)
        %dma_wait3A_60 = arith.constant 0 : i32
        %dma_wait3A_61 = tpu.memref_slice %arg4[%arg0, %arg1, %add3A_25, %dma_wait3A_60] : memref<2x16x80x128xi32, #tpu.memory_space<hbm>> -> memref<1x1x2x128xi32, #tpu.memory_space<hbm>>
        %dma_wait3A_62 = tpu.memref_squeeze %dma_wait3A_61 : memref<1x1x2x128xi32, #tpu.memory_space<hbm>> -> memref<2x128xi32, #tpu.memory_space<hbm>>
        %dma_wait3A_63 = arith.constant 0 : i32
        %dma_wait3A_64 = tpu.memref_slice %arg4[%arg0, %arg1, %add3A_25, %dma_wait3A_63] : memref<2x16x80x128xi32, #tpu.memory_space<hbm>> -> memref<1x1x2x128xi32, #tpu.memory_space<hbm>>
        %dma_wait3A_65 = tpu.memref_squeeze %dma_wait3A_64 : memref<1x1x2x128xi32, #tpu.memory_space<hbm>> -> memref<2x128xi32, #tpu.memory_space<hbm>>
        tpu.wait_dma2 semaphore(%run_scoped3A_53 : memref<!tpu.dma_semaphore, #tpu.memory_space<semaphore_mem>>) src(%dma_wait3A_65 : memref<2x128xi32, #tpu.memory_space<hbm>>) dst(%arg7 : memref<2x128xi32, #tpu.memory_space<vmem>>)
        tpu.yield
      }) : () -> ()
      %dma_start3A = arith.constant 0 : i32
      %dma_start3A_26 = arith.constant 0 : i32
      %dma_start3A_27 = tpu.memref_slice %arg6[%dma_start3A, %dma_start3A_26] : memref<2x128xi32, #tpu.memory_space<vmem>> -> memref<1x128xi32, #tpu.memory_space<vmem>>
      %dma_start3A_28 = tpu.memref_squeeze %dma_start3A_27 : memref<1x128xi32, #tpu.memory_space<vmem>> -> memref<128xi32, #tpu.memory_space<vmem>>
      %dma_start3A_29 = arith.constant 0 : i32
      %dma_start3A_30 = arith.constant 0 : i32
      %dma_start3A_31 = tpu.memref_slice %arg2[%dma_start3A_29, %dma_start3A_30] : memref<10000x128xf32, #tpu.memory_space<hbm>> -> memref<10000x128xf32, #tpu.memory_space<hbm>>
      tpu.enqueue_indirect_dma source(%dma_start3A_31 : memref<10000x128xf32, #tpu.memory_space<hbm>>) target(%arg8 : memref<128x128xf32, #tpu.memory_space<vmem>>) offsets(%dma_start3A_28 : memref<128xi32, #tpu.memory_space<vmem>>) semaphore(%arg11 : memref<!tpu.dma_semaphore, #tpu.memory_space<semaphore_mem>>)
      %dma_start3A_32 = arith.constant 1 : i32
      %dma_start3A_33 = arith.constant 0 : i32
      %dma_start3A_34 = tpu.memref_slice %arg6[%dma_start3A_32, %dma_start3A_33] : memref<2x128xi32, #tpu.memory_space<vmem>> -> memref<1x128xi32, #tpu.memory_space<vmem>>
      %dma_start3A_35 = tpu.memref_squeeze %dma_start3A_34 : memref<1x128xi32, #tpu.memory_space<vmem>> -> memref<128xi32, #tpu.memory_space<vmem>>
      %dma_start3A_36 = arith.constant 0 : i32
      %dma_start3A_37 = arith.constant 0 : i32
      %dma_start3A_38 = tpu.memref_slice %arg2[%dma_start3A_36, %dma_start3A_37] : memref<10000x128xf32, #tpu.memory_space<hbm>> -> memref<10000x128xf32, #tpu.memory_space<hbm>>
      tpu.enqueue_indirect_dma source(%dma_start3A_38 : memref<10000x128xf32, #tpu.memory_space<hbm>>) target(%arg9 : memref<128x128xf32, #tpu.memory_space<vmem>>) offsets(%dma_start3A_35 : memref<128xi32, #tpu.memory_space<vmem>>) semaphore(%arg12 : memref<!tpu.dma_semaphore, #tpu.memory_space<semaphore_mem>>)
      %dma_wait3A = arith.constant 0 : i32
      %dma_wait3A_39 = arith.constant 0 : i32
      %dma_wait3A_40 = tpu.memref_slice %arg6[%dma_wait3A, %dma_wait3A_39] : memref<2x128xi32, #tpu.memory_space<vmem>> -> memref<1x128xi32, #tpu.memory_space<vmem>>
      %dma_wait3A_41 = tpu.memref_squeeze %dma_wait3A_40 : memref<1x128xi32, #tpu.memory_space<vmem>> -> memref<128xi32, #tpu.memory_space<vmem>>
      %dma_wait3A_42 = arith.constant 0 : i32
      %dma_wait3A_43 = arith.constant 0 : i32
      %dma_wait3A_44 = tpu.memref_slice %arg2[%dma_wait3A_42, %dma_wait3A_43] : memref<10000x128xf32, #tpu.memory_space<hbm>> -> memref<10000x128xf32, #tpu.memory_space<hbm>>
      tpu.wait_indirect_dma semaphore(%arg11 : memref<!tpu.dma_semaphore, #tpu.memory_space<semaphore_mem>>) src(%dma_wait3A_44 : memref<10000x128xf32, #tpu.memory_space<hbm>>) dst(%arg8 : memref<128x128xf32, #tpu.memory_space<vmem>>)
      %run_scoped3A = arith.constant 0 : i32
      "tpu.region"() ({
        %run_scoped3A_53 = tpu.sem_alloc : memref<!tpu.dma_semaphore, #tpu.memory_space<semaphore_mem>>
        %dma_start3A_54 = arith.constant 0 : i32
        %dma_start3A_55 = tpu.memref_slice %arg7[%run_scoped3A, %dma_start3A_54] : memref<2x128xi32, #tpu.memory_space<vmem>> -> memref<1x128xi32, #tpu.memory_space<vmem>>
        %dma_start3A_56 = tpu.memref_squeeze %dma_start3A_55 : memref<1x128xi32, #tpu.memory_space<vmem>> -> memref<128xi32, #tpu.memory_space<vmem>>
        %dma_start3A_57 = arith.constant 0 : i32
        %dma_start3A_58 = arith.constant 0 : i32
        %dma_start3A_59 = tpu.memref_slice %arg10[%dma_start3A_57, %dma_start3A_58] : memref<10240x128xf32, #tpu.memory_space<vmem_shared>> -> memref<10240x128xf32, #tpu.memory_space<vmem_shared>>
        tpu.enqueue_indirect_dma source(%arg8 : memref<128x128xf32, #tpu.memory_space<vmem>>) target(%dma_start3A_59 : memref<10240x128xf32, #tpu.memory_space<vmem_shared>>) offsets(%dma_start3A_56 : memref<128xi32, #tpu.memory_space<vmem>>) semaphore(%run_scoped3A_53 : memref<!tpu.dma_semaphore, #tpu.memory_space<semaphore_mem>>) {add = true}
        %dma_wait3A_60 = arith.constant 0 : i32
        %dma_wait3A_61 = tpu.memref_slice %arg7[%run_scoped3A, %dma_wait3A_60] : memref<2x128xi32, #tpu.memory_space<vmem>> -> memref<1x128xi32, #tpu.memory_space<vmem>>
        %dma_wait3A_62 = tpu.memref_squeeze %dma_wait3A_61 : memref<1x128xi32, #tpu.memory_space<vmem>> -> memref<128xi32, #tpu.memory_space<vmem>>
        %dma_wait3A_63 = arith.constant 0 : i32
        %dma_wait3A_64 = arith.constant 0 : i32
        %dma_wait3A_65 = tpu.memref_slice %arg10[%dma_wait3A_63, %dma_wait3A_64] : memref<10240x128xf32, #tpu.memory_space<vmem_shared>> -> memref<10240x128xf32, #tpu.memory_space<vmem_shared>>
        tpu.wait_indirect_dma semaphore(%run_scoped3A_53 : memref<!tpu.dma_semaphore, #tpu.memory_space<semaphore_mem>>) src(%arg8 : memref<128x128xf32, #tpu.memory_space<vmem>>) dst(%dma_wait3A_65 : memref<10240x128xf32, #tpu.memory_space<vmem_shared>>)
        tpu.yield
      }) : () -> ()
      %dma_wait3A_45 = arith.constant 1 : i32
      %dma_wait3A_46 = arith.constant 0 : i32
      %dma_wait3A_47 = tpu.memref_slice %arg6[%dma_wait3A_45, %dma_wait3A_46] : memref<2x128xi32, #tpu.memory_space<vmem>> -> memref<1x128xi32, #tpu.memory_space<vmem>>
      %dma_wait3A_48 = tpu.memref_squeeze %dma_wait3A_47 : memref<1x128xi32, #tpu.memory_space<vmem>> -> memref<128xi32, #tpu.memory_space<vmem>>
      %dma_wait3A_49 = arith.constant 0 : i32
      %dma_wait3A_50 = arith.constant 0 : i32
      %dma_wait3A_51 = tpu.memref_slice %arg2[%dma_wait3A_49, %dma_wait3A_50] : memref<10000x128xf32, #tpu.memory_space<hbm>> -> memref<10000x128xf32, #tpu.memory_space<hbm>>
      tpu.wait_indirect_dma semaphore(%arg12 : memref<!tpu.dma_semaphore, #tpu.memory_space<semaphore_mem>>) src(%dma_wait3A_51 : memref<10000x128xf32, #tpu.memory_space<hbm>>) dst(%arg9 : memref<128x128xf32, #tpu.memory_space<vmem>>)
      %run_scoped3A_52 = arith.constant 1 : i32
      "tpu.region"() ({
        %run_scoped3A_53 = tpu.sem_alloc : memref<!tpu.dma_semaphore, #tpu.memory_space<semaphore_mem>>
        %dma_start3A_54 = arith.constant 0 : i32
        %dma_start3A_55 = tpu.memref_slice %arg7[%run_scoped3A_52, %dma_start3A_54] : memref<2x128xi32, #tpu.memory_space<vmem>> -> memref<1x128xi32, #tpu.memory_space<vmem>>
        %dma_start3A_56 = tpu.memref_squeeze %dma_start3A_55 : memref<1x128xi32, #tpu.memory_space<vmem>> -> memref<128xi32, #tpu.memory_space<vmem>>
        %dma_start3A_57 = arith.constant 0 : i32
        %dma_start3A_58 = arith.constant 0 : i32
        %dma_start3A_59 = tpu.memref_slice %arg10[%dma_start3A_57, %dma_start3A_58] : memref<10240x128xf32, #tpu.memory_space<vmem_shared>> -> memref<10240x128xf32, #tpu.memory_space<vmem_shared>>
        tpu.enqueue_indirect_dma source(%arg9 : memref<128x128xf32, #tpu.memory_space<vmem>>) target(%dma_start3A_59 : memref<10240x128xf32, #tpu.memory_space<vmem_shared>>) offsets(%dma_start3A_56 : memref<128xi32, #tpu.memory_space<vmem>>) semaphore(%run_scoped3A_53 : memref<!tpu.dma_semaphore, #tpu.memory_space<semaphore_mem>>) {add = true}
        %dma_wait3A_60 = arith.constant 0 : i32
        %dma_wait3A_61 = tpu.memref_slice %arg7[%run_scoped3A_52, %dma_wait3A_60] : memref<2x128xi32, #tpu.memory_space<vmem>> -> memref<1x128xi32, #tpu.memory_space<vmem>>
        %dma_wait3A_62 = tpu.memref_squeeze %dma_wait3A_61 : memref<1x128xi32, #tpu.memory_space<vmem>> -> memref<128xi32, #tpu.memory_space<vmem>>
        %dma_wait3A_63 = arith.constant 0 : i32
        %dma_wait3A_64 = arith.constant 0 : i32
        %dma_wait3A_65 = tpu.memref_slice %arg10[%dma_wait3A_63, %dma_wait3A_64] : memref<10240x128xf32, #tpu.memory_space<vmem_shared>> -> memref<10240x128xf32, #tpu.memory_space<vmem_shared>>
        tpu.wait_indirect_dma semaphore(%run_scoped3A_53 : memref<!tpu.dma_semaphore, #tpu.memory_space<semaphore_mem>>) src(%arg9 : memref<128x128xf32, #tpu.memory_space<vmem>>) dst(%dma_wait3A_65 : memref<10240x128xf32, #tpu.memory_space<vmem_shared>>)
        tpu.yield
      }) : () -> ()
    }
    %scan3A_15 = arith.constant 40 : i32
    %barrier3A_16 = arith.constant 0 : index
    tpu.barrier barrier_id(%barrier3A_16)
    %scan3A_17 = arith.constant 0 : i32
    %scan3A_18 = arith.constant 5 : i32
    %scan3A_19 = arith.addi %scan3A_17, %scan3A_18 : i32
    %scan3A_20 = arith.constant 1 : i32
    scf.for %scan3A_22 = %scan3A_17 to %scan3A_19 step %scan3A_20  : i32 {
      %mul3A_23 = arith.constant 128 : i32
      %mul3A_24 = arith.muli %scan3A_22, %mul3A_23 : i32
      %add3A = arith.constant 0 : i32
      %add3A_25 = arith.addi %add3A, %mul3A_24 : i32
      %add3A_26 = arith.addi %mul3A_5, %add3A_25 : i32
      %add3A_27 = arith.addi %mul3A_5, %add3A_25 : i32
      "tpu.region"() ({
        %run_scoped3A = tpu.sem_alloc : memref<!tpu.dma_semaphore, #tpu.memory_space<semaphore_mem>>
        %dma_start3A = arith.constant 0 : i32
        %dma_start3A_28 = tpu.memref_slice %arg5[%arg0, %add3A_27, %dma_start3A] : memref<2x10240x128xf32, #tpu.memory_space<hbm>> -> memref<1x128x128xf32, #tpu.memory_space<hbm>>
        %dma_start3A_29 = tpu.memref_squeeze %dma_start3A_28 : memref<1x128x128xf32, #tpu.memory_space<hbm>> -> memref<128x128xf32, #tpu.memory_space<hbm>>
        %dma_start3A_30 = arith.constant 0 : i32
        %dma_start3A_31 = tpu.memref_slice %arg10[%add3A_26, %dma_start3A_30] : memref<10240x128xf32, #tpu.memory_space<vmem_shared>> -> memref<128x128xf32, #tpu.memory_space<vmem_shared>>
        tpu.enqueue_dma source(%dma_start3A_31 : memref<128x128xf32, #tpu.memory_space<vmem_shared>>) target(%dma_start3A_29 : memref<128x128xf32, #tpu.memory_space<hbm>>) target_semaphore(%run_scoped3A : memref<!tpu.dma_semaphore, #tpu.memory_space<semaphore_mem>>)
        %dma_wait3A = arith.constant 0 : i32
        %dma_wait3A_32 = tpu.memref_slice %arg5[%arg0, %add3A_27, %dma_wait3A] : memref<2x10240x128xf32, #tpu.memory_space<hbm>> -> memref<1x128x128xf32, #tpu.memory_space<hbm>>
        %dma_wait3A_33 = tpu.memref_squeeze %dma_wait3A_32 : memref<1x128x128xf32, #tpu.memory_space<hbm>> -> memref<128x128xf32, #tpu.memory_space<hbm>>
        %dma_wait3A_34 = arith.constant 0 : i32
        %dma_wait3A_35 = tpu.memref_slice %arg10[%add3A_26, %dma_wait3A_34] : memref<10240x128xf32, #tpu.memory_space<vmem_shared>> -> memref<128x128xf32, #tpu.memory_space<vmem_shared>>
        tpu.wait_dma2 semaphore(%run_scoped3A : memref<!tpu.dma_semaphore, #tpu.memory_space<semaphore_mem>>) src(%dma_wait3A_35 : memref<128x128xf32, #tpu.memory_space<vmem_shared>>) dst(%dma_wait3A_33 : memref<128x128xf32, #tpu.memory_space<hbm>>)
        tpu.yield
      }) : () -> ()
    }
    %scan3A_21 = arith.constant 5 : i32
    return
  }
}

#map = affine_map<(d0, d1) -> (0, 0, 0, 0)>
#map1 = affine_map<(d0, d1) -> (0, 0, 0)>
module attributes {stable_mosaic.version = 14 : i64} {
  func.func @k(%arg0: i32, %arg1: i32, %arg2: memref<2x16x80x128xi32, #tpu.memory_space<hbm>>, %arg3: memref<2x10240x16xf32, #tpu.memory_space<hbm>>, %arg4: memref<80x128xi32, #tpu.memory_space<vmem>>, %arg5: memref<128x16xf32, #tpu.memory_space<vmem>>, %arg6: memref<128x16xf32, #tpu.memory_space<vmem>>, %arg7: memref<10240x16xf32, #tpu.memory_space<vmem_shared>>) attributes {dimension_semantics = [#tpu.dimension_semantics<core_parallel>, #tpu.dimension_semantics<subcore_parallel>], iteration_bounds = array<i64: 2, 16>, scalar_prefetch = 0 : i64, scratch_operands = 4 : i64, tpu.core_type = #tpu.core_type<sc_vector_subcore>, window_params = [{transform_indices = #map}, {transform_indices = #map1}]} {
    %broadcast_in_dim3A = arith.constant 1.000000e+00 : f32
    %broadcast_in_dim3A_0 = vector.broadcast %broadcast_in_dim3A : f32 to vector<16xf32>
    %broadcast_in_dim3A_1 = arith.constant 0.000000e+00 : f32
    %broadcast_in_dim3A_2 = vector.broadcast %broadcast_in_dim3A_1 : f32 to vector<16xf32>
    %scan3A = arith.constant 0 : i32
    %scan3A_3 = arith.constant 128 : i32
    %scan3A_4 = arith.addi %scan3A, %scan3A_3 : i32
    %scan3A_5 = arith.constant 1 : i32
    scf.for %scan3A_24 = %scan3A to %scan3A_4 step %scan3A_5  : i32 {
      %mul3A_25 = arith.constant 1 : i32
      %mul3A_26 = arith.muli %scan3A_24, %mul3A_25 : i32
      %add3A = arith.constant 0 : i32
      %add3A_27 = arith.addi %add3A, %mul3A_26 : i32
      %swap3A = arith.index_cast %add3A_27 : i32 to index
      %swap3A_28 = arith.constant 0 : index
      %swap3A_29 = tpu.vector_load %arg5[%swap3A, %swap3A_28] {strides = array<i32>} : memref<128x16xf32, #tpu.memory_space<vmem>>, vector<1x16xf32>,
      %swap3A_30 = vector.shape_cast %swap3A_29 : vector<1x16xf32> to vector<16xf32>
      %swap3A_31 = vector.shape_cast %broadcast_in_dim3A_0 : vector<16xf32> to vector<1x16xf32>
      tpu.vector_store %arg5[%swap3A, %swap3A_28], %swap3A_31 {strides = array<i32>} : memref<128x16xf32, #tpu.memory_space<vmem>>, vector<1x16xf32>,
      %swap3A_32 = arith.index_cast %add3A_27 : i32 to index
      %swap3A_33 = arith.constant 0 : index
      %swap3A_34 = tpu.vector_load %arg6[%swap3A_32, %swap3A_33] {strides = array<i32>} : memref<128x16xf32, #tpu.memory_space<vmem>>, vector<1x16xf32>,
      %swap3A_35 = vector.shape_cast %swap3A_34 : vector<1x16xf32> to vector<16xf32>
      %swap3A_36 = vector.shape_cast %broadcast_in_dim3A_2 : vector<16xf32> to vector<1x16xf32>
      tpu.vector_store %arg6[%swap3A_32, %swap3A_33], %swap3A_36 {strides = array<i32>} : memref<128x16xf32, #tpu.memory_space<vmem>>, vector<1x16xf32>,
    }
    %scan3A_6 = arith.constant 128 : i32
    %mul3A = arith.constant 640 : i32
    %mul3A_7 = arith.muli %arg1, %mul3A : i32
    %scan3A_8 = arith.constant 0 : i32
    %scan3A_9 = arith.constant 5 : i32
    %scan3A_10 = arith.addi %scan3A_8, %scan3A_9 : i32
    %scan3A_11 = arith.constant 1 : i32
    scf.for %scan3A_24 = %scan3A_8 to %scan3A_10 step %scan3A_11  : i32 {
      %mul3A_25 = arith.constant 128 : i32
      %mul3A_26 = arith.muli %scan3A_24, %mul3A_25 : i32
      %add3A = arith.constant 0 : i32
      %add3A_27 = arith.addi %add3A, %mul3A_26 : i32
      %add3A_28 = arith.addi %mul3A_7, %add3A_27 : i32
      "tpu.region"() ({
        %run_scoped3A = tpu.sem_alloc : memref<!tpu.dma_semaphore, #tpu.memory_space<semaphore_mem>>
        %dma_start3A = arith.constant 0 : i32
        %dma_start3A_29 = tpu.memref_slice %arg7[%add3A_28, %dma_start3A] : memref<10240x16xf32, #tpu.memory_space<vmem_shared>> -> memref<128x16xf32, #tpu.memory_space<vmem_shared>>
        %dma_start3A_30 = arith.constant 0 : i32
        %dma_start3A_31 = tpu.memref_slice %arg7[%add3A_28, %dma_start3A_30] : memref<10240x16xf32, #tpu.memory_space<vmem_shared>> -> memref<128x16xf32, #tpu.memory_space<vmem_shared>>
        tpu.enqueue_dma source(%arg6 : memref<128x16xf32, #tpu.memory_space<vmem>>) target(%dma_start3A_31 : memref<128x16xf32, #tpu.memory_space<vmem_shared>>) target_semaphore(%run_scoped3A : memref<!tpu.dma_semaphore, #tpu.memory_space<semaphore_mem>>)
        %dma_wait3A = arith.constant 0 : i32
        %dma_wait3A_32 = tpu.memref_slice %arg7[%add3A_28, %dma_wait3A] : memref<10240x16xf32, #tpu.memory_space<vmem_shared>> -> memref<128x16xf32, #tpu.memory_space<vmem_shared>>
        %dma_wait3A_33 = arith.constant 0 : i32
        %dma_wait3A_34 = tpu.memref_slice %arg7[%add3A_28, %dma_wait3A_33] : memref<10240x16xf32, #tpu.memory_space<vmem_shared>> -> memref<128x16xf32, #tpu.memory_space<vmem_shared>>
        tpu.wait_dma2 semaphore(%run_scoped3A : memref<!tpu.dma_semaphore, #tpu.memory_space<semaphore_mem>>) src(%arg6 : memref<128x16xf32, #tpu.memory_space<vmem>>) dst(%dma_wait3A_34 : memref<128x16xf32, #tpu.memory_space<vmem_shared>>)
        tpu.yield
      }) : () -> ()
    }
    %scan3A_12 = arith.constant 5 : i32
    "tpu.region"() ({
      %run_scoped3A = tpu.sem_alloc : memref<!tpu.dma_semaphore, #tpu.memory_space<semaphore_mem>>
      %dma_start3A = arith.constant 0 : i32
      %dma_start3A_24 = arith.constant 0 : i32
      %dma_start3A_25 = tpu.memref_slice %arg2[%arg0, %arg1, %dma_start3A, %dma_start3A_24] : memref<2x16x80x128xi32, #tpu.memory_space<hbm>> -> memref<1x1x80x128xi32, #tpu.memory_space<hbm>>
      %dma_start3A_26 = tpu.memref_squeeze %dma_start3A_25 : memref<1x1x80x128xi32, #tpu.memory_space<hbm>> -> memref<80x128xi32, #tpu.memory_space<hbm>>
      %dma_start3A_27 = arith.constant 0 : i32
      %dma_start3A_28 = arith.constant 0 : i32
      %dma_start3A_29 = tpu.memref_slice %arg2[%arg0, %arg1, %dma_start3A_27, %dma_start3A_28] : memref<2x16x80x128xi32, #tpu.memory_space<hbm>> -> memref<1x1x80x128xi32, #tpu.memory_space<hbm>>
      %dma_start3A_30 = tpu.memref_squeeze %dma_start3A_29 : memref<1x1x80x128xi32, #tpu.memory_space<hbm>> -> memref<80x128xi32, #tpu.memory_space<hbm>>
      tpu.enqueue_dma source(%dma_start3A_30 : memref<80x128xi32, #tpu.memory_space<hbm>>) target(%arg4 : memref<80x128xi32, #tpu.memory_space<vmem>>) target_semaphore(%run_scoped3A : memref<!tpu.dma_semaphore, #tpu.memory_space<semaphore_mem>>)
      %dma_wait3A = arith.constant 0 : i32
      %dma_wait3A_31 = arith.constant 0 : i32
      %dma_wait3A_32 = tpu.memref_slice %arg2[%arg0, %arg1, %dma_wait3A, %dma_wait3A_31] : memref<2x16x80x128xi32, #tpu.memory_space<hbm>> -> memref<1x1x80x128xi32, #tpu.memory_space<hbm>>
      %dma_wait3A_33 = tpu.memref_squeeze %dma_wait3A_32 : memref<1x1x80x128xi32, #tpu.memory_space<hbm>> -> memref<80x128xi32, #tpu.memory_space<hbm>>
      %dma_wait3A_34 = arith.constant 0 : i32
      %dma_wait3A_35 = arith.constant 0 : i32
      %dma_wait3A_36 = tpu.memref_slice %arg2[%arg0, %arg1, %dma_wait3A_34, %dma_wait3A_35] : memref<2x16x80x128xi32, #tpu.memory_space<hbm>> -> memref<1x1x80x128xi32, #tpu.memory_space<hbm>>
      %dma_wait3A_37 = tpu.memref_squeeze %dma_wait3A_36 : memref<1x1x80x128xi32, #tpu.memory_space<hbm>> -> memref<80x128xi32, #tpu.memory_space<hbm>>
      tpu.wait_dma2 semaphore(%run_scoped3A : memref<!tpu.dma_semaphore, #tpu.memory_space<semaphore_mem>>) src(%dma_wait3A_37 : memref<80x128xi32, #tpu.memory_space<hbm>>) dst(%arg4 : memref<80x128xi32, #tpu.memory_space<vmem>>)
      tpu.yield
    }) : () -> ()
    %barrier3A = arith.constant 0 : index
    tpu.barrier barrier_id(%barrier3A)
    %scan3A_13 = arith.constant 0 : i32
    %scan3A_14 = arith.constant 80 : i32
    %scan3A_15 = arith.addi %scan3A_13, %scan3A_14 : i32
    %scan3A_16 = arith.constant 1 : i32
    scf.for %scan3A_24 = %scan3A_13 to %scan3A_15 step %scan3A_16  : i32 {
      %mul3A_25 = arith.constant 1 : i32
      %mul3A_26 = arith.muli %scan3A_24, %mul3A_25 : i32
      %add3A = arith.constant 0 : i32
      %add3A_27 = arith.addi %add3A, %mul3A_26 : i32
      "tpu.region"() ({
        %run_scoped3A = tpu.sem_alloc : memref<!tpu.dma_semaphore, #tpu.memory_space<semaphore_mem>>
        %dma_start3A = arith.constant 0 : i32
        %dma_start3A_28 = tpu.memref_slice %arg4[%add3A_27, %dma_start3A] : memref<80x128xi32, #tpu.memory_space<vmem>> -> memref<1x128xi32, #tpu.memory_space<vmem>>
        %dma_start3A_29 = tpu.memref_squeeze %dma_start3A_28 : memref<1x128xi32, #tpu.memory_space<vmem>> -> memref<128xi32, #tpu.memory_space<vmem>>
        %dma_start3A_30 = arith.constant 0 : i32
        %dma_start3A_31 = arith.constant 0 : i32
        %dma_start3A_32 = tpu.memref_slice %arg7[%dma_start3A_30, %dma_start3A_31] : memref<10240x16xf32, #tpu.memory_space<vmem_shared>> -> memref<10240x16xf32, #tpu.memory_space<vmem_shared>>
        tpu.enqueue_indirect_dma source(%arg5 : memref<128x16xf32, #tpu.memory_space<vmem>>) target(%dma_start3A_32 : memref<10240x16xf32, #tpu.memory_space<vmem_shared>>) offsets(%dma_start3A_29 : memref<128xi32, #tpu.memory_space<vmem>>) semaphore(%run_scoped3A : memref<!tpu.dma_semaphore, #tpu.memory_space<semaphore_mem>>) {add = true}
        %dma_wait3A = arith.constant 0 : i32
        %dma_wait3A_33 = tpu.memref_slice %arg4[%add3A_27, %dma_wait3A] : memref<80x128xi32, #tpu.memory_space<vmem>> -> memref<1x128xi32, #tpu.memory_space<vmem>>
        %dma_wait3A_34 = tpu.memref_squeeze %dma_wait3A_33 : memref<1x128xi32, #tpu.memory_space<vmem>> -> memref<128xi32, #tpu.memory_space<vmem>>
        %dma_wait3A_35 = arith.constant 0 : i32
        %dma_wait3A_36 = arith.constant 0 : i32
        %dma_wait3A_37 = tpu.memref_slice %arg7[%dma_wait3A_35, %dma_wait3A_36] : memref<10240x16xf32, #tpu.memory_space<vmem_shared>> -> memref<10240x16xf32, #tpu.memory_space<vmem_shared>>
        tpu.wait_indirect_dma semaphore(%run_scoped3A : memref<!tpu.dma_semaphore, #tpu.memory_space<semaphore_mem>>) src(%arg5 : memref<128x16xf32, #tpu.memory_space<vmem>>) dst(%dma_wait3A_37 : memref<10240x16xf32, #tpu.memory_space<vmem_shared>>)
        tpu.yield
      }) : () -> ()
    }
    %scan3A_17 = arith.constant 80 : i32
    %barrier3A_18 = arith.constant 0 : index
    tpu.barrier barrier_id(%barrier3A_18)
    %scan3A_19 = arith.constant 0 : i32
    %scan3A_20 = arith.constant 5 : i32
    %scan3A_21 = arith.addi %scan3A_19, %scan3A_20 : i32
    %scan3A_22 = arith.constant 1 : i32
    scf.for %scan3A_24 = %scan3A_19 to %scan3A_21 step %scan3A_22  : i32 {
      %mul3A_25 = arith.constant 128 : i32
      %mul3A_26 = arith.muli %scan3A_24, %mul3A_25 : i32
      %add3A = arith.constant 0 : i32
      %add3A_27 = arith.addi %add3A, %mul3A_26 : i32
      %add3A_28 = arith.addi %mul3A_7, %add3A_27 : i32
      %add3A_29 = arith.addi %mul3A_7, %add3A_27 : i32
      "tpu.region"() ({
        %run_scoped3A = tpu.sem_alloc : memref<!tpu.dma_semaphore, #tpu.memory_space<semaphore_mem>>
        %dma_start3A = arith.constant 0 : i32
        %dma_start3A_30 = tpu.memref_slice %arg3[%arg0, %add3A_29, %dma_start3A] : memref<2x10240x16xf32, #tpu.memory_space<hbm>> -> memref<1x128x16xf32, #tpu.memory_space<hbm>>
        %dma_start3A_31 = tpu.memref_squeeze %dma_start3A_30 : memref<1x128x16xf32, #tpu.memory_space<hbm>> -> memref<128x16xf32, #tpu.memory_space<hbm>>
        %dma_start3A_32 = arith.constant 0 : i32
        %dma_start3A_33 = tpu.memref_slice %arg7[%add3A_28, %dma_start3A_32] : memref<10240x16xf32, #tpu.memory_space<vmem_shared>> -> memref<128x16xf32, #tpu.memory_space<vmem_shared>>
        tpu.enqueue_dma source(%dma_start3A_33 : memref<128x16xf32, #tpu.memory_space<vmem_shared>>) target(%dma_start3A_31 : memref<128x16xf32, #tpu.memory_space<hbm>>) target_semaphore(%run_scoped3A : memref<!tpu.dma_semaphore, #tpu.memory_space<semaphore_mem>>)
        %dma_wait3A = arith.constant 0 : i32
        %dma_wait3A_34 = tpu.memref_slice %arg3[%arg0, %add3A_29, %dma_wait3A] : memref<2x10240x16xf32, #tpu.memory_space<hbm>> -> memref<1x128x16xf32, #tpu.memory_space<hbm>>
        %dma_wait3A_35 = tpu.memref_squeeze %dma_wait3A_34 : memref<1x128x16xf32, #tpu.memory_space<hbm>> -> memref<128x16xf32, #tpu.memory_space<hbm>>
        %dma_wait3A_36 = arith.constant 0 : i32
        %dma_wait3A_37 = tpu.memref_slice %arg7[%add3A_28, %dma_wait3A_36] : memref<10240x16xf32, #tpu.memory_space<vmem_shared>> -> memref<128x16xf32, #tpu.memory_space<vmem_shared>>
        tpu.wait_dma2 semaphore(%run_scoped3A : memref<!tpu.dma_semaphore, #tpu.memory_space<semaphore_mem>>) src(%dma_wait3A_37 : memref<128x16xf32, #tpu.memory_space<vmem_shared>>) dst(%dma_wait3A_35 : memref<128x16xf32, #tpu.memory_space<hbm>>)
        tpu.yield
      }) : () -> ()
    }
    %scan3A_23 = arith.constant 5 : i32
    return
  }
}

module attributes {stable_mosaic.version = 14 : i64} {
  func.func @body(%arg0: i32, %arg1: memref<1000x128xf32, #tpu.memory_space<vmem>>, %arg2: memref<128x128xf32, #tpu.memory_space<vmem>>, %arg3: memref<1000x128xf32, #tpu.memory_space<vmem>>) attributes {dimension_semantics = [#tpu.dimension_semantics<arbitrary>], iteration_bounds = array<i64: 10>, scalar_prefetch = 0 : i64, scratch_operands = 0 : i64, tpu.core_type = #tpu.core_type<tc>, window_params = [{transform_indices = @transform_0, window_bounds = array<i64: 1000, 128>}, {pipeline_mode = #tpu.pipeline_mode<synchronous>, transform_indices = @transform_1, window_bounds = array<i64: 128, 128>}, {transform_indices = @transform_2, window_bounds = array<i64: 1000, 128>}]} {
    %get3A = arith.constant 0 : index
    %get3A_0 = arith.constant 0 : index
    %get3A_1 = vector.load %arg1[%get3A, %get3A_0] : memref<1000x128xf32, #tpu.memory_space<vmem>>, vector<1000x128xf32>
    %get3A_2 = arith.constant 0 : index
    %get3A_3 = arith.constant 0 : index
    %get3A_4 = vector.load %arg2[%get3A_2, %get3A_3] : memref<128x128xf32, #tpu.memory_space<vmem>>, vector<128x128xf32>
    %dot_general3A = arith.constant dense<0.000000e+00> : vector<1000x128xf32>
    %dot_general3A_5 = tpu.matmul %get3A_1, %get3A_4, %dot_general3A {dimension_numbers = #tpu.dot_dimension_numbers<[1], [0], [0], [1], [0, 0, 1, 1], [], []>, precision = #tpu.contract_precision<fp32>, transpose_lhs_hint = false} : vector<1000x128xf32>, vector<128x128xf32>, vector<1000x128xf32> -> vector<1000x128xf32>
    %swap3A = arith.constant 0 : index
    %swap3A_6 = arith.constant 0 : index
    %swap3A_7 = vector.load %arg3[%swap3A, %swap3A_6] : memref<1000x128xf32, #tpu.memory_space<vmem>>, vector<1000x128xf32>
    tpu.vector_store %arg3[%swap3A, %swap3A_6], %dot_general3A_5 {strides = array<i32>} : memref<1000x128xf32, #tpu.memory_space<vmem>>, vector<1000x128xf32>,
    return
  }
  func.func @transform_0(%arg0: i32) -> (i32, i32) {
    %c0_i32 = arith.constant 0 : i32
    %c0_i32_0 = arith.constant 0 : i32
    return %arg0, %c0_i32 : i32, i32
  }
  func.func @transform_1(%arg0: i32) -> (i32, i32) {
    %c0_i32 = arith.constant 0 : i32
    %c0_i32_0 = arith.constant 0 : i32
    %c0_i32_1 = arith.constant 0 : i32
    return %c0_i32, %c0_i32_0 : i32, i32
  }
  func.func @transform_2(%arg0: i32) -> (i32, i32) {
    %c0_i32 = arith.constant 0 : i32
    %c0_i32_0 = arith.constant 0 : i32
    return %arg0, %c0_i32 : i32, i32
  }
}

module attributes {stable_mosaic.version = 14 : i64} {
  func.func @body(%arg0: i32, %arg1: memref<1000x1xf32, #tpu.memory_space<vmem>>, %arg2: memref<1000x1xf32, #tpu.memory_space<vmem>>, %arg3: memref<1000x128xf32, #tpu.memory_space<vmem>>, %arg4: memref<1000x128xf32, #tpu.memory_space<vmem>>, %arg5: memref<1000x1xf32, #tpu.memory_space<vmem>>) attributes {dimension_semantics = [#tpu.dimension_semantics<arbitrary>], iteration_bounds = array<i64: 10>, scalar_prefetch = 0 : i64, scratch_operands = 0 : i64, tpu.core_type = #tpu.core_type<tc>, window_params = [{transform_indices = @transform_0, window_bounds = array<i64: 1000, 1>}, {transform_indices = @transform_1, window_bounds = array<i64: 1000, 1>}, {transform_indices = @transform_2, window_bounds = array<i64: 1000, 128>}, {transform_indices = @transform_3, window_bounds = array<i64: 1000, 128>}, {transform_indices = @transform_4, window_bounds = array<i64: 1000, 1>}]} {
    %get3A = arith.constant 0 : index
    %get3A_0 = arith.constant 0 : index
    %get3A_1 = vector.load %arg1[%get3A, %get3A_0] : memref<1000x1xf32, #tpu.memory_space<vmem>>, vector<1000x1xf32>
    %get3A_2 = arith.constant 0 : index
    %get3A_3 = arith.constant 0 : index
    %get3A_4 = vector.load %arg2[%get3A_2, %get3A_3] : memref<1000x1xf32, #tpu.memory_space<vmem>>, vector<1000x1xf32>
    %add3A = arith.addf %get3A_1, %get3A_4 : vector<1000x1xf32>
    %add3A_5 = arith.constant 1.000000e+00 : f32
    %add3A_6 = vector.broadcast %add3A_5 : f32 to vector<1000x1xf32>
    %add3A_7 = arith.addf %add3A, %add3A_6 : vector<1000x1xf32>
    %rsqrt3A = math.rsqrt %add3A_7 : vector<1000x1xf32>
    %swap3A = arith.constant 0 : index
    %swap3A_8 = arith.constant 0 : index
    %swap3A_9 = vector.load %arg5[%swap3A, %swap3A_8] : memref<1000x1xf32, #tpu.memory_space<vmem>>, vector<1000x1xf32>
    tpu.vector_store %arg5[%swap3A, %swap3A_8], %rsqrt3A {strides = array<i32>} : memref<1000x1xf32, #tpu.memory_space<vmem>>, vector<1000x1xf32>,
    %get3A_10 = arith.constant 0 : index
    %get3A_11 = arith.constant 0 : index
    %get3A_12 = vector.load %arg3[%get3A_10, %get3A_11] : memref<1000x128xf32, #tpu.memory_space<vmem>>, vector<1000x128xf32>
    %mul3A = vector.broadcast %rsqrt3A : vector<1000x1xf32> to vector<1000x128xf32>
    %mul3A_13 = arith.mulf %get3A_12, %mul3A : vector<1000x128xf32>
    %swap3A_14 = arith.constant 0 : index
    %swap3A_15 = arith.constant 0 : index
    %swap3A_16 = vector.load %arg4[%swap3A_14, %swap3A_15] : memref<1000x128xf32, #tpu.memory_space<vmem>>, vector<1000x128xf32>
    tpu.vector_store %arg4[%swap3A_14, %swap3A_15], %mul3A_13 {strides = array<i32>} : memref<1000x128xf32, #tpu.memory_space<vmem>>, vector<1000x128xf32>,
    return
  }
  func.func @transform_0(%arg0: i32) -> (i32, i32) {
    %c0_i32 = arith.constant 0 : i32
    %c0_i32_0 = arith.constant 0 : i32
    return %arg0, %c0_i32 : i32, i32
  }
  func.func @transform_1(%arg0: i32) -> (i32, i32) {
    %c0_i32 = arith.constant 0 : i32
    %c0_i32_0 = arith.constant 0 : i32
    return %arg0, %c0_i32 : i32, i32
  }
  func.func @transform_2(%arg0: i32) -> (i32, i32) {
    %c0_i32 = arith.constant 0 : i32
    %c0_i32_0 = arith.constant 0 : i32
    return %arg0, %c0_i32 : i32, i32
  }
  func.func @transform_3(%arg0: i32) -> (i32, i32) {
    %c0_i32 = arith.constant 0 : i32
    %c0_i32_0 = arith.constant 0 : i32
    return %arg0, %c0_i32 : i32, i32
  }
  func.func @transform_4(%arg0: i32) -> (i32, i32) {
    %c0_i32 = arith.constant 0 : i32
    %c0_i32_0 = arith.constant 0 : i32
    return %arg0, %c0_i32 : i32, i32
  }
}

module attributes {stable_mosaic.version = 14 : i64} {
  func.func @body(%arg0: i32, %arg1: memref<1000x128xf32, #tpu.memory_space<vmem>>, %arg2: memref<1000x128xf32, #tpu.memory_space<vmem>>, %arg3: memref<1000x128xf32, #tpu.memory_space<vmem>>, %arg4: memref<1000x1xf32, #tpu.memory_space<vmem>>, %arg5: memref<1x128xf32, #tpu.memory_space<vmem>>, %arg6: memref<128x128xf32, #tpu.memory_space<vmem>>, %arg7: memref<1000x128xf32, #tpu.memory_space<vmem>>) attributes {dimension_semantics = [#tpu.dimension_semantics<arbitrary>], iteration_bounds = array<i64: 10>, scalar_prefetch = 0 : i64, scratch_operands = 0 : i64, tpu.core_type = #tpu.core_type<tc>, window_params = [{transform_indices = @transform_0, window_bounds = array<i64: 1000, 128>}, {transform_indices = @transform_1, window_bounds = array<i64: 1000, 128>}, {transform_indices = @transform_2, window_bounds = array<i64: 1000, 128>}, {transform_indices = @transform_3, window_bounds = array<i64: 1000, 1>}, {pipeline_mode = #tpu.pipeline_mode<synchronous>, transform_indices = @transform_4, window_bounds = array<i64: 1, 128>}, {pipeline_mode = #tpu.pipeline_mode<synchronous>, transform_indices = @transform_5, window_bounds = array<i64: 128, 128>}, {transform_indices = @transform_6, window_bounds = array<i64: 1000, 128>}]} {
    %get3A = arith.constant 0 : index
    %get3A_0 = arith.constant 0 : index
    %get3A_1 = vector.load %arg1[%get3A, %get3A_0] : memref<1000x128xf32, #tpu.memory_space<vmem>>, vector<1000x128xf32>
    %get3A_2 = arith.constant 0 : index
    %get3A_3 = arith.constant 0 : index
    %get3A_4 = vector.load %arg2[%get3A_2, %get3A_3] : memref<1000x128xf32, #tpu.memory_space<vmem>>, vector<1000x128xf32>
    %add3A = arith.addf %get3A_1, %get3A_4 : vector<1000x128xf32>
    %get3A_5 = arith.constant 0 : index
    %get3A_6 = arith.constant 0 : index
    %get3A_7 = vector.load %arg3[%get3A_5, %get3A_6] : memref<1000x128xf32, #tpu.memory_space<vmem>>, vector<1000x128xf32>
    %add3A_8 = arith.addf %add3A, %get3A_7 : vector<1000x128xf32>
    %get3A_9 = arith.constant 0 : index
    %get3A_10 = arith.constant 0 : index
    %get3A_11 = vector.load %arg4[%get3A_9, %get3A_10] : memref<1000x1xf32, #tpu.memory_space<vmem>>, vector<1000x1xf32>
    %mul3A = vector.broadcast %get3A_11 : vector<1000x1xf32> to vector<1000x128xf32>
    %mul3A_12 = arith.mulf %add3A_8, %mul3A : vector<1000x128xf32>
    %get3A_13 = arith.constant 0 : index
    %get3A_14 = arith.constant 0 : index
    %get3A_15 = vector.load %arg5[%get3A_13, %get3A_14] : memref<1x128xf32, #tpu.memory_space<vmem>>, vector<1x128xf32>
    %add3A_16 = vector.broadcast %get3A_15 : vector<1x128xf32> to vector<1000x128xf32>
    %add3A_17 = arith.addf %mul3A_12, %add3A_16 : vector<1000x128xf32>
    %max3A = arith.constant 0.000000e+00 : f32
    %max3A_18 = vector.broadcast %max3A : f32 to vector<1000x128xf32>
    %max3A_19 = arith.maximumf %add3A_17, %max3A_18 : vector<1000x128xf32>
    %get3A_20 = arith.constant 0 : index
    %get3A_21 = arith.constant 0 : index
    %get3A_22 = vector.load %arg6[%get3A_20, %get3A_21] : memref<128x128xf32, #tpu.memory_space<vmem>>, vector<128x128xf32>
    %dot_general3A = arith.constant dense<0.000000e+00> : vector<1000x128xf32>
    %dot_general3A_23 = tpu.matmul %max3A_19, %get3A_22, %dot_general3A {dimension_numbers = #tpu.dot_dimension_numbers<[1], [0], [0], [1], [0, 0, 1, 1], [], []>, precision = #tpu.contract_precision<fp32>, transpose_lhs_hint = false} : vector<1000x128xf32>, vector<128x128xf32>, vector<1000x128xf32> -> vector<1000x128xf32>
    %get3A_24 = arith.constant 0 : index
    %get3A_25 = arith.constant 0 : index
    %get3A_26 = vector.load %arg4[%get3A_24, %get3A_25] : memref<1000x1xf32, #tpu.memory_space<vmem>>, vector<1000x1xf32>
    %mul3A_27 = vector.broadcast %get3A_26 : vector<1000x1xf32> to vector<1000x128xf32>
    %mul3A_28 = arith.mulf %dot_general3A_23, %mul3A_27 : vector<1000x128xf32>
    %swap3A = arith.constant 0 : index
    %swap3A_29 = arith.constant 0 : index
    %swap3A_30 = vector.load %arg7[%swap3A, %swap3A_29] : memref<1000x128xf32, #tpu.memory_space<vmem>>, vector<1000x128xf32>
    tpu.vector_store %arg7[%swap3A, %swap3A_29], %mul3A_28 {strides = array<i32>} : memref<1000x128xf32, #tpu.memory_space<vmem>>, vector<1000x128xf32>,
    return
  }
  func.func @transform_0(%arg0: i32) -> (i32, i32) {
    %c0_i32 = arith.constant 0 : i32
    %c0_i32_0 = arith.constant 0 : i32
    return %arg0, %c0_i32 : i32, i32
  }
  func.func @transform_1(%arg0: i32) -> (i32, i32) {
    %c0_i32 = arith.constant 0 : i32
    %c0_i32_0 = arith.constant 0 : i32
    return %arg0, %c0_i32 : i32, i32
  }
  func.func @transform_2(%arg0: i32) -> (i32, i32) {
    %c0_i32 = arith.constant 0 : i32
    %c0_i32_0 = arith.constant 0 : i32
    return %arg0, %c0_i32 : i32, i32
  }
  func.func @transform_3(%arg0: i32) -> (i32, i32) {
    %c0_i32 = arith.constant 0 : i32
    %c0_i32_0 = arith.constant 0 : i32
    return %arg0, %c0_i32 : i32, i32
  }
  func.func @transform_4(%arg0: i32) -> (i32, i32) {
    %c0_i32 = arith.constant 0 : i32
    %c0_i32_0 = arith.constant 0 : i32
    %c0_i32_1 = arith.constant 0 : i32
    return %c0_i32, %c0_i32_0 : i32, i32
  }
  func.func @transform_5(%arg0: i32) -> (i32, i32) {
    %c0_i32 = arith.constant 0 : i32
    %c0_i32_0 = arith.constant 0 : i32
    %c0_i32_1 = arith.constant 0 : i32
    return %c0_i32, %c0_i32_0 : i32, i32
  }
  func.func @transform_6(%arg0: i32) -> (i32, i32) {
    %c0_i32 = arith.constant 0 : i32
    %c0_i32_0 = arith.constant 0 : i32
    return %arg0, %c0_i32 : i32, i32
  }
}

module attributes {stable_mosaic.version = 14 : i64} {
  func.func @body(%arg0: i32, %arg1: memref<1000x128xf32, #tpu.memory_space<vmem>>, %arg2: memref<1000x128xf32, #tpu.memory_space<vmem>>, %arg3: memref<1000x128xf32, #tpu.memory_space<vmem>>, %arg4: memref<1000x1xf32, #tpu.memory_space<vmem>>, %arg5: memref<1x128xf32, #tpu.memory_space<vmem>>, %arg6: memref<1000x128xf32, #tpu.memory_space<vmem>>) attributes {dimension_semantics = [#tpu.dimension_semantics<arbitrary>], iteration_bounds = array<i64: 10>, scalar_prefetch = 0 : i64, scratch_operands = 0 : i64, tpu.core_type = #tpu.core_type<tc>, window_params = [{transform_indices = @transform_0, window_bounds = array<i64: 1000, 128>}, {transform_indices = @transform_1, window_bounds = array<i64: 1000, 128>}, {transform_indices = @transform_2, window_bounds = array<i64: 1000, 128>}, {transform_indices = @transform_3, window_bounds = array<i64: 1000, 1>}, {pipeline_mode = #tpu.pipeline_mode<synchronous>, transform_indices = @transform_4, window_bounds = array<i64: 1, 128>}, {transform_indices = @transform_5, window_bounds = array<i64: 1000, 128>}]} {
    %get3A = arith.constant 0 : index
    %get3A_0 = arith.constant 0 : index
    %get3A_1 = vector.load %arg1[%get3A, %get3A_0] : memref<1000x128xf32, #tpu.memory_space<vmem>>, vector<1000x128xf32>
    %get3A_2 = arith.constant 0 : index
    %get3A_3 = arith.constant 0 : index
    %get3A_4 = vector.load %arg2[%get3A_2, %get3A_3] : memref<1000x128xf32, #tpu.memory_space<vmem>>, vector<1000x128xf32>
    %add3A = arith.addf %get3A_1, %get3A_4 : vector<1000x128xf32>
    %get3A_5 = arith.constant 0 : index
    %get3A_6 = arith.constant 0 : index
    %get3A_7 = vector.load %arg3[%get3A_5, %get3A_6] : memref<1000x128xf32, #tpu.memory_space<vmem>>, vector<1000x128xf32>
    %add3A_8 = arith.addf %add3A, %get3A_7 : vector<1000x128xf32>
    %get3A_9 = arith.constant 0 : index
    %get3A_10 = arith.constant 0 : index
    %get3A_11 = vector.load %arg4[%get3A_9, %get3A_10] : memref<1000x1xf32, #tpu.memory_space<vmem>>, vector<1000x1xf32>
    %mul3A = vector.broadcast %get3A_11 : vector<1000x1xf32> to vector<1000x128xf32>
    %mul3A_12 = arith.mulf %add3A_8, %mul3A : vector<1000x128xf32>
    %get3A_13 = arith.constant 0 : index
    %get3A_14 = arith.constant 0 : index
    %get3A_15 = vector.load %arg5[%get3A_13, %get3A_14] : memref<1x128xf32, #tpu.memory_space<vmem>>, vector<1x128xf32>
    %add3A_16 = vector.broadcast %get3A_15 : vector<1x128xf32> to vector<1000x128xf32>
    %add3A_17 = arith.addf %mul3A_12, %add3A_16 : vector<1000x128xf32>
    %swap3A = arith.constant 0 : index
    %swap3A_18 = arith.constant 0 : index
    %swap3A_19 = vector.load %arg6[%swap3A, %swap3A_18] : memref<1000x128xf32, #tpu.memory_space<vmem>>, vector<1000x128xf32>
    tpu.vector_store %arg6[%swap3A, %swap3A_18], %add3A_17 {strides = array<i32>} : memref<1000x128xf32, #tpu.memory_space<vmem>>, vector<1000x128xf32>,
    return
  }
  func.func @transform_0(%arg0: i32) -> (i32, i32) {
    %c0_i32 = arith.constant 0 : i32
    %c0_i32_0 = arith.constant 0 : i32
    return %arg0, %c0_i32 : i32, i32
  }
  func.func @transform_1(%arg0: i32) -> (i32, i32) {
    %c0_i32 = arith.constant 0 : i32
    %c0_i32_0 = arith.constant 0 : i32
    return %arg0, %c0_i32 : i32, i32
  }
  func.func @transform_2(%arg0: i32) -> (i32, i32) {
    %c0_i32 = arith.constant 0 : i32
    %c0_i32_0 = arith.constant 0 : i32
    return %arg0, %c0_i32 : i32, i32
  }
  func.func @transform_3(%arg0: i32) -> (i32, i32) {
    %c0_i32 = arith.constant 0 : i32
    %c0_i32_0 = arith.constant 0 : i32
    return %arg0, %c0_i32 : i32, i32
  }
  func.func @transform_4(%arg0: i32) -> (i32, i32) {
    %c0_i32 = arith.constant 0 : i32
    %c0_i32_0 = arith.constant 0 : i32
    %c0_i32_1 = arith.constant 0 : i32
    return %c0_i32, %c0_i32_0 : i32, i32
  }
  func.func @transform_5(%arg0: i32) -> (i32, i32) {
    %c0_i32 = arith.constant 0 : i32
    %c0_i32_0 = arith.constant 0 : i32
    return %arg0, %c0_i32 : i32, i32
  }
}

</mosaic_0001>

<sc_bundles>
// kernel: kernel.12.cloned.1.call-start
scs
__scs_entry_jumppad:
0x0: {  	(pc) =	sbr.rel $0x88, $3  }
0x1: {  	(tag) =	ssettag $0x0;
	lr =	simm.s32 $0x1  }
0x2: {  	[smem:$0x3F9B] =	sst lr;
	_ =	strace $0xD0000000  }
0x3: {  	_ = 	snop  }
0x4: {  	_ = 	snop  }
0x5: {  	_ = 	snop  }
0x6: {  	_ = 	snop  }
0x7: {  	_ = 	snop  }
__scs_overlays_trampoline_lowered:
0x8: {  	[smem:$0x3FAA] =	sst s0  }
0x9: {  	[smem:$0x3FAB] =	sst s1  }
0xa: {  	[smem:$0x3FAC] =	sst s2  }
0xb: {  	[smem:$0x3FAD] =	sst s3  }
0xc: {  	[smem:$0x3FAE] =	sst s4  }
0xd: {  	[smem:$0x3FAF] =	sst s5  }
0xe: {  	[smem:$0x3FB0] =	sst s6  }
0xf: {  	[smem:$0x3FB1] =	sst s7  }
0x10: {  	[smem:$0x3FB2] =	sst s8  }
0x11: {  	[smem:$0x3FB3] =	sst s9;
	s0 =	simm.s32 @!p0 $0x0  }
0x12: {  	s1 =	sld [smem:$0x3F99];
	s0 =	simm.s32 @p0 $0x1  }
0x13: {  	[smem:$0x3FB4] =	sst s0;
	s0 =	simm.s32 @!p1 $0x0  }
0x14: {  	s2 =	sld [smem:$0x3F98];
	s0 =	simm.s32 @p1 $0x1  }
0x15: {  	[smem:$0x3FB5] =	sst s0;
	s0 =	simm.s32 @!p2 $0x0  }
0x16: {  	s3 =	sld [smem:$0x3FDB];
	s0 =	simm.s32 @p2 $0x1  }
0x17: {  	s4 =	simm.s32 $0x1BF5;
	[smem:$0x3FB7] =	sst s0  }
0x18: {  	s0 =	sld [smem:$0x3F9A];
	_ =	swait.ge [sflag:s4], $0x0  }
0x19: {  	s7 =	sld [smem:$0x3F9B]  }
0x1a: {  	s8 =	sadd.s32 $0xFFFFE003, lr  }
0x1b: {  	s9 =	sadd.s32 $0xFFFFFEF7, lr;
	s5 =	simm.s32 $0xFFFFFFFF;
	p2 =	slt.u32 s8, $0xFFFFF086  }
0x1c: {  	p1 =	slt.u32 s9, $0xF7A;
	s5 =	simm.s32 @!p2 $0x0  }
0x1d: {  	s5 =	simm.s32 @p1 $0x1;
	p0 =	seq.s32 s7, s2  }
0x1e: {  	s7 =	smul.u32 @!p0 $0xF7A, s2;
	p2 =	seq.s32 @!p0 s5, $0x0  }
0x1f: {  	s9 =	smul.u32 $0xF7A, s1;
	s8 =	simm.s32 @!p0 $0x1BF5;
	p2 =	por !p2, p0  }
0x20: {  	[sflag:s8] =	ssyncset.s32 @!p0 $0xFFFFF086;
	s6 =	sadd.s32 @!p0 s3, s7;
	s7 =	simm.s32 @!p0 $0x108  }
0x21: {  	s3 =	sadd.s32 s3, s9;
	s6 =	sadd.s32 @!p0 $0x88, s6;
	s7 =	simm.s32 @p2 $0x1082  }
0x22: {  	[simem:s7], [sflag:s8] =	dma.local @!p0 [hbm:s6], $0xF7A  }
0x23: {  	s9 =	sor.u32 $0xD0000000, s2;
	s6 =	simm.s32 $0x108;
	_ =	swait.ge @!p0 [sflag:s8], $0x0  }
0x24: {  	s3 =	sadd.s32 $0x88, s3;
	s6 =	simm.s32 @!p1 $0x1082;
	[sflag:s4] =	ssyncset.s32 $0xFFFFF086  }
0x25: {  	[simem:s6], [sflag:s4] =	dma.local [hbm:s3], $0xF7A  }
0x26: {  	[smem:$0x3F9B] =	sst s1;
	(tag) =	ssettag s2;
	_ =	strace s9  }
0x27: {  	s1 =	sld [smem:$0x3FAB]  }
0x28: {  	s2 =	sld [smem:$0x3FAC]  }
0x29: {  	s4 =	sld [smem:$0x3FAE]  }
0x2a: {  	p0 =	seq.s32 s5, $0x0;
	s5 =	sld [smem:$0x3FAF]  }
0x2b: {  	s6 =	sld [smem:$0x3FB0]  }
0x2c: {  	s7 =	sld [smem:$0x3FB1]  }
0x2d: {  	s3 =	simm.s32 $0x108;
	s8 =	sld [smem:$0x3FB2]  }
0x2e: {  	s3 =	simm.s32 @!p0 $0x1082;
	s9 =	sld [smem:$0x3FB3]  }
0x2f: {  	lr =	sadd.s32 s0, s3;
	s0 =	sld [smem:$0x3FAA]  }
0x30: {  	s3 =	sld [smem:$0x3FAD]  }
0x31: {  	[smem:$0x3FB6] =	sst s10  }
0x32: {  	s10 =	sld [smem:$0x3FB4];
	_ =	sdelay $0x3  }
0x33: {  	p0 =	seq.s32 s10, $0x1;
	s10 =	sld [smem:$0x3FB6];
	_ =	sdelay $0x3  }
0x34: {  	[smem:$0x3FB6] =	sst s10  }
0x35: {  	s10 =	sld [smem:$0x3FB5];
	_ =	sdelay $0x3  }
0x36: {  	p1 =	seq.s32 s10, $0x1;
	s10 =	sld [smem:$0x3FB6];
	_ =	sdelay $0x3  }
0x37: {  	[smem:$0x3FB6] =	sst s10  }
0x38: {  	s10 =	sld [smem:$0x3FB7]  }
0x39: {  	_ = 	snop;
	(pc) =	sbr.ind lr, $3  }
0x3a: {  	_ = 	snop  }
0x3b: {  	_ = 	snop  }
0x3c: {  	p2 =	seq.s32 s10, $0x1;
	s10 =	sld [smem:$0x3FB6]  }
0x3d: {  	_ =	shalt  }
0x3e: {  	_ =	shalt  }
0x3f: {  	_ =	shalt  }
0x40: {  	_ =	shalt  }
0x41: {  	_ =	shalt  }
0x42: {  	_ =	shalt  }
0x43: {  	_ =	shalt  }
0x44: {  	_ =	shalt  }
0x45: {  	_ =	shalt  }
0x46: {  	_ =	shalt  }
0x47: {  	_ =	shalt  }
0x48: {  	_ =	shalt  }
0x49: {  	_ =	shalt  }
0x4a: {  	_ =	shalt  }
0x4b: {  	_ =	shalt  }
0x4c: {  	_ =	shalt  }
0x4d: {  	_ =	shalt  }
0x4e: {  	_ =	shalt  }
0x4f: {  	_ =	shalt  }
0x50: {  	_ =	shalt  }
0x51: {  	_ =	shalt  }
0x52: {  	_ =	shalt  }
0x53: {  	_ =	shalt  }
0x54: {  	_ =	shalt  }
0x55: {  	_ =	shalt  }
0x56: {  	_ =	shalt  }
0x57: {  	_ =	shalt  }
0x58: {  	_ =	shalt  }
0x59: {  	_ =	shalt  }
0x5a: {  	_ =	shalt  }
0x5b: {  	_ =	shalt  }
0x5c: {  	_ =	shalt  }
0x5d: {  	_ =	shalt  }
0x5e: {  	_ =	shalt  }
0x5f: {  	_ =	shalt  }
0x60: {  	_ =	shalt  }
0x61: {  	_ =	shalt  }
0x62: {  	_ =	shalt  }
0x63: {  	_ =	shalt  }
0x64: {  	_ =	shalt  }
0x65: {  	_ =	shalt  }
0x66: {  	_ =	shalt  }
0x67: {  	_ =	shalt  }
0x68: {  	_ =	shalt  }
0x69: {  	_ =	shalt  }
0x6a: {  	_ =	shalt  }
0x6b: {  	_ =	shalt  }
0x6c: {  	_ =	shalt  }
0x6d: {  	_ =	shalt  }
0x6e: {  	_ =	shalt  }
0x6f: {  	_ =	shalt  }
0x70: {  	_ =	shalt  }
0x71: {  	_ =	shalt  }
0x72: {  	_ =	shalt  }
0x73: {  	_ =	shalt  }
0x74: {  	_ =	shalt  }
0x75: {  	_ =	shalt  }
0x76: {  	_ =	shalt  }
0x77: {  	_ =	shalt  }
0x78: {  	_ =	shalt  }
0x79: {  	_ =	shalt  }
0x7a: {  	_ =	shalt  }
0x7b: {  	_ =	shalt  }
0x7c: {  	_ =	shalt  }
0x7d: {  	_ =	shalt  }
0x7e: {  	_ =	shalt  }
0x7f: {  	_ =	shalt  }
0x80: {  	_ =	shalt  }
0x81: {  	_ =	shalt  }
0x82: {  	_ =	shalt  }
0x83: {  	_ =	shalt  }
0x84: {  	_ =	shalt  }
0x85: {  	_ =	shalt  }
0x86: {  	_ =	shalt  }
0x87: {  	_ =	shalt  }
.Lfunc_end0:
.L_simem_size_0:
called_computation.1_lowered:
.L_overlay_start_0:
0x88: {  	s2 =	sld [smem:$0x3FD9]  }
0x89: {  	s3 =	sld [smem:$0x3FFE];
	_ =	sdelay $0x1  }
0x8a: {  	s1 =	srdreg.scid  }
0x8b: {  	s0 =	sand.u32 $0x1, s1  }
0x8c: {  	s17 =	sshll.u32 s0, $0xA;
	s2 =	sadd.s32 s3, s2  }
0x8d: {  	s2 =	sadd.s32 s2, s17  }
0x8e: {  	[smem:$0x3FC2] =	sst s2  }
0x8f: {  	_ = 	snop  }
0x90: {  	s2 =	sld [smem:$0x3FD0];
	(tm) =	ssettm $0x1  }
0x91: {  	s18 =	sld [smem:$0x3FFB];
	_ =	sdelay $0x3  }
0x92: {  	_ =	strace s18  }
0x93: {  	s3 =	sld [smem:$0x3FFC];
	_ =	sdelay $0x3  }
0x94: {  	_ =	strace s3  }
0x95: {  	s3 =	sld [smem:$0x3FFD];
	_ =	sdelay $0x3  }
0x96: {  	_ =	strace s3  }
0x97: {  	_ =	strace $0x8FFFFFFF  }
0x98: {  	s19 =	sld [smem:$0x3FDB];
	_ =	sdelay $0x1  }
0x99: {  	s4 =	simm.s32 $_scs_section_size  }
0x9a: {  	s5 =	simm.s32 $_size__tile_overlayer_lowered;
	s6 =	simm.s32 $_tile_overlayer_lowered  }
0x9b: {  	s22 =	simm.s32 $0x1BFF;
	s21 =	sshll.u32 s6, $0x1;
	s3 =	sadd.s32 s4, s19  }
0x9c: {  	s7 =	simm.s32 $0x0;
	s20 =	sshll.u32 s5, $0x1;
	s5 =	sadd.s32 s21, s3  }
0x9d: {  	[timem:s7], [sflag:s22] =	dma.local [hbm:s5], s20  }
0x9e: {  	_ =	swait.ge [sflag:s22], s20  }
0x9f: {  	s4 =	ssub.s32 $0x0, s20;
	[sflag:s22] =	ssyncset.done $0x0  }
0xa0: {  	[sflag:s22] =	ssyncadd.s32 s4;
	_ =	sdelay $0x1  }
0xa1: {  	s23 =	simm.s32 $0x1B8B  }
0xa2: {  	_ =	swait.ge [sflag:s23], $0x1  }
0xa3: {  	[sflag:s23] =	ssyncset.done $0x0  }
0xa4: {  	s25 =	simm.s32 $0x1B8E;
	s24 =	sld [smem:$0x3FFE];
	[sflag:s23] =	ssyncadd.s32 $0xFFFFFFFF  }
0xa5: {  	s26 =	simm.s32 $execute0_lowered;
	[smem:$0x3FD2] =	sst s25  }
0xa6: {  	s5 =	sshll.u32 s26, $0x1;
	_ =	strace $0x80000049;
	[dreg:$0x1] =	wrdreg $0xFFFFFFFF  }
0xa7: {  	s28 =	simm.s32 $_size_execute0_lowered;
	s3 =	sadd.s32 s3, s5;
	[dreg:$0x0] =	wrdreg $0x0  }
0xa8: {  	s5 =	sshll.u32 s28, $0x1;
	[dreg:$0x2] =	wrdreg s3  }
0xa9: {  	[dreg:$0x3] =	wrdreg s5  }
0xaa: {  	[dreg:$0x4] =	wrdreg $0xC0  }
0xab: {  	_ =	task [dreg:s7], $0x5FFFF  }
0xac: {  	[dreg:$0x1] =	wrdreg $0xFFFFFFFF  }
0xad: {  	[dreg:$0x0] =	wrdreg $0x60  }
0xae: {  	[dreg:$0x2] =	wrdreg s2  }
0xaf: {  	[dreg:$0x3] =	wrdreg s24  }
0xb0: {  	[dreg:$0x4] =	wrdreg $0x82000  }
0xb1: {  	[dreg:$0x5] =	wrdreg $0x9  }
0xb2: {  	_ =	task.clear_ibuf [dreg:s7], $0x6FFFF;
	_ =	strace $0x90000049  }
0xb3: {  	s29 =	simm.s32 $0x9;
	_ =	strace $0x8000004B  }
0xb4: {  	_ =	swait.ge [sflag:s29], $0x1  }
0xb5: {  	[sflag:s29] =	ssyncadd.s32 $0xFFFFFFFF  }
0xb6: {  	_ =	strace $0x9000004B  }
0xb7: {  	_ =	sfence  }
0xb8: {  	s30 =	sld [smem:$0x0];
	_ =	sdelay $0x2  }
0xb9: {  	s31 =	sshll.u32 s1, $0xD;
	s1 =	sshrl.u32 s1, $0x2  }
0xba: {  	s3 =	sand.u32 $0x4000, s31;
	s1 =	sadd.s32 s1, s30  }
0xbb: {  	s0 =	sor.u32 s3, s0;
	s1 =	sshll.u32 s1, $0x11  }
0xbc: {  	s0 =	sor.u32 s1, s0  }
0xbd: {  	s0 =	sadd.s32 $0x8F2B, s0  }
0xbe: {  	[sflag:s0] =	ssyncadd.remote.s32 $0x1  }
0xbf: {  	_ =	sfence.sel $0xFFFF  }
0xc0: {  	[dreg:$0x0] =	wrdreg $0xFFFFFFFF;
	(pc) =	sbr.abs _section_cstart, $3  }
0xc1: {  	[dreg:$0x1] =	wrdreg $0xFFFFFFFF  }
0xc2: {  	_ =	task.clear_ibuf [dreg:s7], $0x2FFFF;
	_ =	strace $0x9FFFFFFF  }
0xc3: {  	(tm) =	ssettm $0x7FFFFFFF  }
tec
execute0_lowered:
.L_overlay_start_1:
0x0: {  	(tag) =	ssettag $0x1  }
0x1: {  	s1 =	rddreg [dreg:$0x0]  }
0x2: {  	s0 =	rddreg [dreg:$0x1]  }
0x3: {  	s3 =	rddreg [dreg:$0x2];
	s2 =	srdreg.scid  }
0x4: {  	s11 =	stileid.u32;
	s4 =	simm.s32 $0x0;
	s28 =	simm.s32 $0x4200  }
0x5: {  	s29 =	simm.s32 $0x1;
	s30 =	simm.s32 $0x2;
	s7 =	smul.u32 $0x50000, s11  }
0x6: {  	s31 =	simm.s32 $0x180;
	s2 =	sand.u32 $0x1, s2;
	s17 =	smul.u32 $0x14000, s11  }
0x7: {  	[smem:$0x7FF] =	sst s4;
	s5 =	sadd.s32 $0x5D600, s0;
	s11 =	smul.u32 $0x2800, s11  }
0x8: {  	s6 =	sadd.s32 $0x3600, s0;
	s0 =	sadd.s32 $0x67600, s0;
	s8 =	smul.u32 $0x28000, s2  }
0x9: {  	_ =	strace $0x8000004A;
	s9 =	smul.u32 $0x140000, s2;
	s2 =	ssub.s32 $0x2, s2  }
0xa: {  	s10 =	sshrl.u32 s2, $0x1;
	s7 =	sshrl.u32 s7, $0x2;
	s23 =	sadd.s32 $0x4000, s17  }
0xb: {  	s18 =	sadd.s32 $0x8000, s17;
	s19 =	sadd.s32 $0xC000, s17;
	s21 =	sadd.s32 $0x10000, s17  }
0xc: {  	s2 =	ssub.s32 s2, s10;
	s22 =	sadd.s32 s9, s17;
	s7 =	sadd.s32 s7, s3  }
0xd: {  	s8 =	sadd.s32 s11, s8;
	s14 =	sadd.s32 s9, s23;
	s16 =	sadd.s32 s9, s18  }
0xe: {  	s20 =	sadd.s32 s9, s19;
	s9 =	sadd.s32 s9, s21;
	s26 =	sadd.s32 s21, s3  }
0xf: {  	s21 =	simm.s32 $0x100;
	s10 =	sshrl.u32 s22, $0x3;
	s2 =	smax.u32 s2, $0x1  }
0x10: {  	s24 =	sadd.s32 $0x4000, s7;
	s12 =	sadd.s32 $0x8000, s7;
	s13 =	sadd.s32 $0xC000, s7  }
0x11: {  	s15 =	sshrl.u32 s14, $0x3;
	s14 =	sadd.s32 $0x10000, s7;
	s16 =	sshrl.u32 s16, $0x3  }
0x12: {  	s25 =	sshrl.u32 s20, $0x3;
	s9 =	sshrl.u32 s9, $0x3;
	[dreg:$0x5] =	wrdreg s2  }
0x13: {  	s20 =	simm.s32 $0x3;
	s10 =	sadd.s32 s0, s10;
	[dreg:$0x6] =	wrdreg s24  }
0x14: {  	s15 =	sadd.s32 s0, s15;
	s2 =	sadd.s32 s23, s3;
	s16 =	sadd.s32 s0, s16  }
0x15: {  	s23 =	sadd.s32 s18, s3;
	s17 =	sadd.s32 s0, s25;
	s24 =	sadd.s32 s19, s3  }
0x16: {  	s18 =	sadd.s32 s0, s9;
	s19 =	simm.s32 $0x200;
	s25 =	sshrl.u32 s26, $0x3  }
0x17: {  	s26 =	simm.s32 $0x80;
	s0 =	simm.s32 $0x0;
	[dreg:$0x4] =	wrdreg s10  }
0x18: {  	v0 =	vimm.f32 $0.0e+00;
	s22 =	sshrl.u32 s2, $0x3;
	s23 =	sshrl.u32 s23, $0x3;
	s24 =	sshrl.u32 s24, $0x3  }
.LBB2_1:
0x19: {  	s2 =	simm.s32 $0x0;
	s9 =	simm.s32 $0x200  }
.LBB2_2:
0x1a: {  	p0 =	sne.s32 s9, $0xFE00;
	[tilespmem:s2+$0x270] =	vst v0  }
0x1b: {  	[tilespmem:s2+$0x200] =	vst v0  }
0x1c: {  	[tilespmem:s2+$0x210] =	vst v0  }
.Ltmp0:
0x1d: {  	[tilespmem:s2+$0x220] =	vst v0;
	(pc) =	sbr.rel @p0 .LBB2_2-.Ltmp0, $4  }
0x1e: {  	[tilespmem:s2+$0x230] =	vst v0  }
0x1f: {  	[tilespmem:s2+$0x240] =	vst v0  }
0x20: {  	[tilespmem:s2+$0x250] =	vst v0  }
0x21: {  	[tilespmem:s2+$0x260] =	vst v0;
	s2 =	sshra.s32 s9, $0x2;
	s9 =	sadd.s32 $0x200, s9  }
0x22: {  	[tilespmem:s2+$0x270] =	vst v0  }
0x23: {  	[tilespmem:s2+$0x200] =	vst v0  }
0x24: {  	[tilespmem:s2+$0x210] =	vst v0  }
0x25: {  	[tilespmem:s2+$0x220] =	vst v0  }
0x26: {  	[tilespmem:s2+$0x230] =	vst v0  }
0x27: {  	[tilespmem:s2+$0x240] =	vst v0  }
0x28: {  	[tilespmem:s2+$0x250] =	vst v0  }
0x29: {  	[tilespmem:s2+$0x260] =	vst v0  }
0x2a: {  	[spmem:s7] =	stream.linear.scatter [tilespmem:s19], [sflag:$0x3], $0x4000, $0x38;
	[tilespmem:$0x1C200] =	vst v63  }
0x2b: {  	_ =	swait.ge [sflag:s20], $0x4000  }
0x2c: {  	[sflag:s20] =	ssyncset.done $0x0  }
0x2d: {  	s9 =	rddreg [dreg:$0x6];
	[sflag:s20] =	ssyncadd.s32 $0xFFFFC000  }
0x2e: {  	[spmem:s9] =	stream.linear.scatter [tilespmem:s19], [sflag:$0x3], $0x4000, $0x38;
	[tilespmem:$0x1C200] =	vst v63  }
0x2f: {  	_ =	swait.ge [sflag:s20], $0x4000  }
0x30: {  	[sflag:s20] =	ssyncset.done $0x0  }
0x31: {  	[sflag:s20] =	ssyncadd.s32 $0xFFFFC000  }
0x32: {  	[spmem:s12] =	stream.linear.scatter [tilespmem:s19], [sflag:$0x3], $0x4000, $0x38;
	[tilespmem:$0x1C200] =	vst v63  }
0x33: {  	_ =	swait.ge [sflag:s20], $0x4000  }
0x34: {  	[sflag:s20] =	ssyncset.done $0x0  }
0x35: {  	[sflag:s20] =	ssyncadd.s32 $0xFFFFC000  }
0x36: {  	[spmem:s13] =	stream.linear.scatter [tilespmem:s19], [sflag:$0x3], $0x4000, $0x38;
	[tilespmem:$0x1C200] =	vst v63  }
0x37: {  	_ =	swait.ge [sflag:s20], $0x4000  }
0x38: {  	s10 =	simm.s32 $0x0;
	[sflag:s20] =	ssyncset.done $0x0  }
0x39: {  	s9 =	sand.u32 $0x3C00, s10;
	[sflag:s20] =	ssyncadd.s32 $0xFFFFC000  }
0x3a: {  	[spmem:s14] =	stream.linear.scatter [tilespmem:s19], [sflag:$0x3], $0x4000, $0x38;
	[tilespmem:$0x1C200] =	vst v63  }
0x3b: {  	s2 =	sand.u32 $0x300, s10;
	s9 =	sadd.s32 s9, s8;
	_ =	swait.ge [sflag:s20], $0x4000  }
0x3c: {  	s2 =	sor.u32 s2, s9;
	[sflag:s20] =	ssyncset.done $0x0  }
0x3d: {  	s2 =	sshrl.u32 s2, $0x3;
	[sflag:s20] =	ssyncadd.s32 $0xFFFFC000  }
0x3e: {  	s11 =	sadd.s32 s5, s2;
	[bflag:$0x0] =	sbarrier.arrive $0xFFFF  }
0x3f: {  	[tilespmem:s4], [sflag:$0x3] =	stream.linear.gather [hbm4b:s11+s4], $0x100, $0x38;
	[tilespmem:$0x1C200] =	vst v63  }
0x40: {  	_ =	swait.ge [sflag:s20], $0x100  }
0x41: {  	[sflag:s20] =	ssyncset.done $0x0  }
0x42: {  	s2 =	sadd.s32 s6, s2;
	[sflag:s20] =	ssyncadd.s32 $0xFFFFFF00  }
0x43: {  	[tilespmem:s21], [sflag:$0x3] =	stream.linear.gather [hbm4b:s2+s4], $0x100, $0x38;
	[tilespmem:$0x1C200] =	vst v63  }
0x44: {  	_ =	swait.ge [sflag:s20], $0x100  }
0x45: {  	[sflag:s20] =	ssyncset.done $0x0  }
0x46: {  	[sflag:s20] =	ssyncadd.s32 $0xFFFFFF00  }
0x47: {  	[tilespmem:s19], [sflag:$0x1] =	stream.indirect.gather [hbm4b:s1+s26], $0x80, s4, s26, $0xb8;
	[tilespmem:$0x1C200] =	vst v63  }
0x48: {  	_ = 	snop  }
0x49: {  	[tilespmem:s28], [sflag:$0x2] =	stream.indirect.gather [hbm4b:s1+s26], $0x80, s26, s26, $0xb8;
	[tilespmem:$0x1C200] =	vst v63  }
0x4a: {  	_ =	swait.ge [sflag:s29], $0x4000  }
0x4b: {  	[sflag:s29] =	ssyncset.done $0x0  }
0x4c: {  	[sflag:s29] =	ssyncadd.s32 $0xFFFFC000  }
0x4d: {  	[spmem:s3] =	stream.indirect.scatter.add.f32 [tilespmem:s19], [sflag:$0x3], $0x80, s21, s26, $0xb8;
	[tilespmem:$0x1C200] =	vst v63  }
0x4e: {  	_ =	swait.ge [sflag:s20], $0x4000  }
0x4f: {  	s10 =	simm.s32 $0x100;
	[sflag:s20] =	ssyncset.done $0x0  }
0x50: {  	s11 =	sand.u32 $0x3C00, s10;
	[sflag:s20] =	ssyncadd.s32 $0xFFFFC000  }
0x51: {  	s9 =	sadd.s32 s11, s8;
	s2 =	sand.u32 $0x300, s10;
	_ =	swait.ge [sflag:s30], $0x4000  }
0x52: {  	s9 =	sor.u32 s2, s9;
	[sflag:s30] =	ssyncset.done $0x0  }
0x53: {  	s2 =	simm.s32 $0x200;
	s9 =	sshrl.u32 s9, $0x3;
	[sflag:s30] =	ssyncadd.s32 $0xFFFFC000  }
.LBB2_4:
0x54: {  	[spmem:s3] =	stream.indirect.scatter.add.f32 [tilespmem:s28], [sflag:$0x3], $0x80, s31, s26, $0xb8;
	[tilespmem:$0x1C200] =	vst v63  }
0x55: {  	s10 =	smov.u32 s2  }
0x56: {  	p0 =	sne.s32 s2, $0x2700;
	s2 =	sadd.s32 $0x100, s2;
	_ =	swait.ge [sflag:s20], $0x4000  }
0x57: {  	[sflag:s20] =	ssyncset.done $0x0  }
0x58: {  	s11 =	sadd.s32 s5, s9;
	[sflag:s20] =	ssyncadd.s32 $0xFFFFC000  }
0x59: {  	[tilespmem:s4], [sflag:$0x3] =	stream.linear.gather [hbm4b:s11+s4], $0x100, $0x38;
	[tilespmem:$0x1C200] =	vst v63  }
0x5a: {  	_ =	swait.ge [sflag:s20], $0x100  }
0x5b: {  	[sflag:s20] =	ssyncset.done $0x0  }
0x5c: {  	s9 =	sadd.s32 s6, s9;
	[sflag:s20] =	ssyncadd.s32 $0xFFFFFF00  }
0x5d: {  	[tilespmem:s21], [sflag:$0x3] =	stream.linear.gather [hbm4b:s9+s4], $0x100, $0x38;
	[tilespmem:$0x1C200] =	vst v63  }
0x5e: {  	_ =	swait.ge [sflag:s20], $0x100  }
0x5f: {  	[sflag:s20] =	ssyncset.done $0x0  }
0x60: {  	[sflag:s20] =	ssyncadd.s32 $0xFFFFFF00  }
0x61: {  	[tilespmem:s19], [sflag:$0x1] =	stream.indirect.gather [hbm4b:s1+s26], $0x80, s4, s26, $0xb8;
	[tilespmem:$0x1C200] =	vst v63  }
0x62: {  	_ = 	snop  }
0x63: {  	[tilespmem:s28], [sflag:$0x2] =	stream.indirect.gather [hbm4b:s1+s26], $0x80, s26, s26, $0xb8;
	[tilespmem:$0x1C200] =	vst v63  }
0x64: {  	_ =	swait.ge [sflag:s29], $0x4000  }
0x65: {  	[sflag:s29] =	ssyncset.done $0x0  }
0x66: {  	[sflag:s29] =	ssyncadd.s32 $0xFFFFC000  }
0x67: {  	[spmem:s3] =	stream.indirect.scatter.add.f32 [tilespmem:s19], [sflag:$0x3], $0x80, s21, s26, $0xb8;
	[tilespmem:$0x1C200] =	vst v63  }
0x68: {  	_ =	swait.ge [sflag:s20], $0x4000  }
.Ltmp1:
0x69: {  	[sflag:s20] =	ssyncset.done $0x0;
	(pc) =	sbr.rel @p0 .LBB2_4-.Ltmp1, $4  }
0x6a: {  	s9 =	sand.u32 $0x3C00, s10;
	[sflag:s20] =	ssyncadd.s32 $0xFFFFC000  }
0x6b: {  	s10 =	sand.u32 $0x300, s10;
	s9 =	sadd.s32 s9, s8;
	_ =	swait.ge [sflag:s30], $0x4000  }
0x6c: {  	s9 =	sor.u32 s10, s9;
	[sflag:s30] =	ssyncset.done $0x0  }
0x6d: {  	s9 =	sshrl.u32 s9, $0x3;
	[sflag:s30] =	ssyncadd.s32 $0xFFFFC000  }
0x6e: {  	[spmem:s3] =	stream.indirect.scatter.add.f32 [tilespmem:s28], [sflag:$0x3], $0x80, s31, s26, $0xb8;
	[tilespmem:$0x1C200] =	vst v63  }
0x6f: {  	_ =	swait.ge [sflag:s20], $0x4000  }
0x70: {  	[sflag:s20] =	ssyncset.done $0x0  }
0x71: {  	s2 =	sadd.s32 s5, s9;
	[sflag:s20] =	ssyncadd.s32 $0xFFFFC000  }
0x72: {  	[tilespmem:s4], [sflag:$0x3] =	stream.linear.gather [hbm4b:s2+s4], $0x100, $0x38;
	[tilespmem:$0x1C200] =	vst v63  }
0x73: {  	_ =	swait.ge [sflag:s20], $0x100  }
0x74: {  	[sflag:s20] =	ssyncset.done $0x0  }
0x75: {  	s9 =	sadd.s32 s6, s9;
	[sflag:s20] =	ssyncadd.s32 $0xFFFFFF00  }
0x76: {  	[tilespmem:s21], [sflag:$0x3] =	stream.linear.gather [hbm4b:s9+s4], $0x100, $0x38;
	[tilespmem:$0x1C200] =	vst v63  }
0x77: {  	_ =	swait.ge [sflag:s20], $0x100  }
0x78: {  	[sflag:s20] =	ssyncset.done $0x0  }
0x79: {  	[sflag:s20] =	ssyncadd.s32 $0xFFFFFF00  }
0x7a: {  	[tilespmem:s19], [sflag:$0x1] =	stream.indirect.gather [hbm4b:s1+s26], $0x80, s4, s26, $0xb8;
	[tilespmem:$0x1C200] =	vst v63  }
0x7b: {  	_ = 	snop  }
0x7c: {  	[tilespmem:s28], [sflag:$0x2] =	stream.indirect.gather [hbm4b:s1+s26], $0x80, s26, s26, $0xb8;
	[tilespmem:$0x1C200] =	vst v63  }
0x7d: {  	_ =	swait.ge [sflag:s29], $0x4000  }
0x7e: {  	[sflag:s29] =	ssyncset.done $0x0  }
0x7f: {  	[sflag:s29] =	ssyncadd.s32 $0xFFFFC000  }
0x80: {  	[spmem:s3] =	stream.indirect.scatter.add.f32 [tilespmem:s19], [sflag:$0x3], $0x80, s21, s26, $0xb8;
	[tilespmem:$0x1C200] =	vst v63  }
0x81: {  	_ =	swait.ge [sflag:s20], $0x4000  }
0x82: {  	[sflag:s20] =	ssyncset.done $0x0  }
0x83: {  	[sflag:s20] =	ssyncadd.s32 $0xFFFFC000  }
0x84: {  	_ =	swait.ge [sflag:s30], $0x4000  }
0x85: {  	[sflag:s30] =	ssyncset.done $0x0  }
0x86: {  	[sflag:s30] =	ssyncadd.s32 $0xFFFFC000  }
0x87: {  	[spmem:s3] =	stream.indirect.scatter.add.f32 [tilespmem:s28], [sflag:$0x3], $0x80, s31, s26, $0xb8;
	[tilespmem:$0x1C200] =	vst v63  }
0x88: {  	_ =	swait.ge [sflag:s20], $0x4000  }
0x89: {  	[sflag:s20] =	ssyncset.done $0x0  }
0x8a: {  	s10 =	stileid.u32;
	[sflag:s20] =	ssyncadd.s32 $0xFFFFC000  }
0x8b: {  	s2 =	sshll.u32 s10, $0x6;
	[bflag:$0x0] =	sbarrier.arrive $0xFFFF  }
0x8c: {  	s11 =	sshrl.u32 s7, $0x3;
	s2 =	sor.u32 $0x1C03, s2;
	s10 =	rddreg [dreg:$0x4]  }
0x8d: {  	[hbm:s10], [sflag:s2] =	dma.local [spmem:s11], $0x800  }
0x8e: {  	_ =	swait.ge [sflag:s20], $0x800  }
0x8f: {  	[sflag:s20] =	ssyncset.done $0x0  }
0x90: {  	[sflag:s20] =	ssyncadd.s32 $0xFFFFF800  }
0x91: {  	[hbm:s15], [sflag:s2] =	dma.local [spmem:s22], $0x800  }
0x92: {  	_ =	swait.ge [sflag:s20], $0x800  }
0x93: {  	[sflag:s20] =	ssyncset.done $0x0  }
0x94: {  	[sflag:s20] =	ssyncadd.s32 $0xFFFFF800  }
0x95: {  	[hbm:s16], [sflag:s2] =	dma.local [spmem:s23], $0x800  }
0x96: {  	_ =	swait.ge [sflag:s20], $0x800  }
0x97: {  	[sflag:s20] =	ssyncset.done $0x0  }
0x98: {  	[sflag:s20] =	ssyncadd.s32 $0xFFFFF800  }
0x99: {  	[hbm:s17], [sflag:s2] =	dma.local [spmem:s24], $0x800  }
0x9a: {  	_ =	swait.ge [sflag:s20], $0x800  }
0x9b: {  	[sflag:s20] =	ssyncset.done $0x0  }
0x9c: {  	[sflag:s20] =	ssyncadd.s32 $0xFFFFF800  }
0x9d: {  	[hbm:s18], [sflag:s2] =	dma.local [spmem:s25], $0x800  }
0x9e: {  	_ =	swait.ge [sflag:s20], $0x800  }
0x9f: {  	s0 =	sadd.s32 $0x1, s0;
	s11 =	rddreg [dreg:$0x5]  }
0xa0: {  	p0 =	sne.s32 s0, s11  }
.Ltmp2:
0xa1: {  	_ = 	snop;
	(pc) =	sbr.rel @p0 .LBB2_1-.Ltmp2, $3  }
0xa2: {  	_ =	sdelay $0x1  }
0xa3: {  	[sflag:s20] =	ssyncset.done $0x0  }
0xa4: {  	[sflag:s20] =	ssyncadd.s32 $0xFFFFF800  }
0xa5: {  	_ =	sfence.sel $0x180000  }
0xa6: {  	[bflag:$0x0] =	sbarrier.arrive $0xFFFF  }
0xa7: {  	_ =	strace $0x9000004A  }
0xa8: {  	s0 =	stileid.u32;
	[bflag:$0x2] =	sbarrier.arrive $0xFFFF  }
0xa9: {  	p0 =	sne.s32 s0, $0x0;
	s0 =	rddreg [dreg:$0x3]  }
0xaa: {  	s0 =	sadd.s32 @!p0 $0x100000, s0  }
0xab: {  	[sflag:s0] =	ssyncadd.tile.s32 @!p0 $0x1;
	_ =	shalt  }
.Lfunc_end2:
_tile_overlayer_lowered:
.L_overlay_start_2:
0xac: {  	(tag) =	ssettag $0x2  }
0xad: {  	s0 =	rddreg [dreg:$0x0];
	s2 =	stileid.u32  }
0xae: {  	s1 =	rddreg [dreg:$0x1];
	p0 =	sne.s32 s2, $0x0  }
0xaf: {  	s3 =	rddreg [dreg:$0x2];
	[bflag:$0x3] =	sbarrier.arrive $0xFFFF;
	s2 =	simm.s32 @!p0 $0x1C03  }
0xb0: {  	[timem:s3], [sflag:s2] =	dma.local @!p0 [hbm:s0], s1  }
0xb1: {  	s0 =	simm.s32 @!p0 $0x3  }
0xb2: {  	_ =	swait.ge @!p0 [sflag:s0], s1  }
0xb3: {  	s1 =	ssub.s32 @!p0 $0x0, s1;
	[sflag:s0] =	ssyncset.done @!p0 $0x0  }
0xb4: {  	[sflag:s0] =	ssyncadd.s32 @!p0 s1  }
0xb5: {  	[bflag:$0x3] =	sbarrier.arrive $0xFFFF  }
0xb6: {  	_ =	shalt  }

// kernel: kernel.15.cloned.1.call-start
scs
__scs_entry_jumppad:
0x0: {  	(pc) =	sbr.rel $0x88, $3  }
0x1: {  	(tag) =	ssettag $0x0;
	lr =	simm.s32 $0x1  }
0x2: {  	[smem:$0x3F9B] =	sst lr;
	_ =	strace $0xD0000000  }
0x3: {  	_ = 	snop  }
0x4: {  	_ = 	snop  }
0x5: {  	_ = 	snop  }
0x6: {  	_ = 	snop  }
0x7: {  	_ = 	snop  }
__scs_overlays_trampoline_lowered:
0x8: {  	[smem:$0x3FAA] =	sst s0  }
0x9: {  	[smem:$0x3FAB] =	sst s1  }
0xa: {  	[smem:$0x3FAC] =	sst s2  }
0xb: {  	[smem:$0x3FAD] =	sst s3  }
0xc: {  	[smem:$0x3FAE] =	sst s4  }
0xd: {  	[smem:$0x3FAF] =	sst s5  }
0xe: {  	[smem:$0x3FB0] =	sst s6  }
0xf: {  	[smem:$0x3FB1] =	sst s7  }
0x10: {  	[smem:$0x3FB2] =	sst s8  }
0x11: {  	[smem:$0x3FB3] =	sst s9;
	s0 =	simm.s32 @!p0 $0x0  }
0x12: {  	s1 =	sld [smem:$0x3F99];
	s0 =	simm.s32 @p0 $0x1  }
0x13: {  	[smem:$0x3FB4] =	sst s0;
	s0 =	simm.s32 @!p1 $0x0  }
0x14: {  	s2 =	sld [smem:$0x3F98];
	s0 =	simm.s32 @p1 $0x1  }
0x15: {  	[smem:$0x3FB5] =	sst s0;
	s0 =	simm.s32 @!p2 $0x0  }
0x16: {  	s3 =	sld [smem:$0x3FDB];
	s0 =	simm.s32 @p2 $0x1  }
0x17: {  	s4 =	simm.s32 $0x1BF5;
	[smem:$0x3FB7] =	sst s0  }
0x18: {  	s0 =	sld [smem:$0x3F9A];
	_ =	swait.ge [sflag:s4], $0x0  }
0x19: {  	s7 =	sld [smem:$0x3F9B]  }
0x1a: {  	s8 =	sadd.s32 $0xFFFFE003, lr  }
0x1b: {  	s9 =	sadd.s32 $0xFFFFFEF7, lr;
	s5 =	simm.s32 $0xFFFFFFFF;
	p2 =	slt.u32 s8, $0xFFFFF086  }
0x1c: {  	p1 =	slt.u32 s9, $0xF7A;
	s5 =	simm.s32 @!p2 $0x0  }
0x1d: {  	s5 =	simm.s32 @p1 $0x1;
	p0 =	seq.s32 s7, s2  }
0x1e: {  	s7 =	smul.u32 @!p0 $0xF7A, s2;
	p2 =	seq.s32 @!p0 s5, $0x0  }
0x1f: {  	s9 =	smul.u32 $0xF7A, s1;
	s8 =	simm.s32 @!p0 $0x1BF5;
	p2 =	por !p2, p0  }
0x20: {  	[sflag:s8] =	ssyncset.s32 @!p0 $0xFFFFF086;
	s6 =	sadd.s32 @!p0 s3, s7;
	s7 =	simm.s32 @!p0 $0x108  }
0x21: {  	s3 =	sadd.s32 s3, s9;
	s6 =	sadd.s32 @!p0 $0x88, s6;
	s7 =	simm.s32 @p2 $0x1082  }
0x22: {  	[simem:s7], [sflag:s8] =	dma.local @!p0 [hbm:s6], $0xF7A  }
0x23: {  	s9 =	sor.u32 $0xD0000000, s2;
	s6 =	simm.s32 $0x108;
	_ =	swait.ge @!p0 [sflag:s8], $0x0  }
0x24: {  	s3 =	sadd.s32 $0x88, s3;
	s6 =	simm.s32 @!p1 $0x1082;
	[sflag:s4] =	ssyncset.s32 $0xFFFFF086  }
0x25: {  	[simem:s6], [sflag:s4] =	dma.local [hbm:s3], $0xF7A  }
0x26: {  	[smem:$0x3F9B] =	sst s1;
	(tag) =	ssettag s2;
	_ =	strace s9  }
0x27: {  	s1 =	sld [smem:$0x3FAB]  }
0x28: {  	s2 =	sld [smem:$0x3FAC]  }
0x29: {  	s4 =	sld [smem:$0x3FAE]  }
0x2a: {  	p0 =	seq.s32 s5, $0x0;
	s5 =	sld [smem:$0x3FAF]  }
0x2b: {  	s6 =	sld [smem:$0x3FB0]  }
0x2c: {  	s7 =	sld [smem:$0x3FB1]  }
0x2d: {  	s3 =	simm.s32 $0x108;
	s8 =	sld [smem:$0x3FB2]  }
0x2e: {  	s3 =	simm.s32 @!p0 $0x1082;
	s9 =	sld [smem:$0x3FB3]  }
0x2f: {  	lr =	sadd.s32 s0, s3;
	s0 =	sld [smem:$0x3FAA]  }
0x30: {  	s3 =	sld [smem:$0x3FAD]  }
0x31: {  	[smem:$0x3FB6] =	sst s10  }
0x32: {  	s10 =	sld [smem:$0x3FB4];
	_ =	sdelay $0x3  }
0x33: {  	p0 =	seq.s32 s10, $0x1;
	s10 =	sld [smem:$0x3FB6];
	_ =	sdelay $0x3  }
0x34: {  	[smem:$0x3FB6] =	sst s10  }
0x35: {  	s10 =	sld [smem:$0x3FB5];
	_ =	sdelay $0x3  }
0x36: {  	p1 =	seq.s32 s10, $0x1;
	s10 =	sld [smem:$0x3FB6];
	_ =	sdelay $0x3  }
0x37: {  	[smem:$0x3FB6] =	sst s10  }
0x38: {  	s10 =	sld [smem:$0x3FB7]  }
0x39: {  	_ = 	snop;
	(pc) =	sbr.ind lr, $3  }
0x3a: {  	_ = 	snop  }
0x3b: {  	_ = 	snop  }
0x3c: {  	p2 =	seq.s32 s10, $0x1;
	s10 =	sld [smem:$0x3FB6]  }
0x3d: {  	_ =	shalt  }
0x3e: {  	_ =	shalt  }
0x3f: {  	_ =	shalt  }
0x40: {  	_ =	shalt  }
0x41: {  	_ =	shalt  }
0x42: {  	_ =	shalt  }
0x43: {  	_ =	shalt  }
0x44: {  	_ =	shalt  }
0x45: {  	_ =	shalt  }
0x46: {  	_ =	shalt  }
0x47: {  	_ =	shalt  }
0x48: {  	_ =	shalt  }
0x49: {  	_ =	shalt  }
0x4a: {  	_ =	shalt  }
0x4b: {  	_ =	shalt  }
0x4c: {  	_ =	shalt  }
0x4d: {  	_ =	shalt  }
0x4e: {  	_ =	shalt  }
0x4f: {  	_ =	shalt  }
0x50: {  	_ =	shalt  }
0x51: {  	_ =	shalt  }
0x52: {  	_ =	shalt  }
0x53: {  	_ =	shalt  }
0x54: {  	_ =	shalt  }
0x55: {  	_ =	shalt  }
0x56: {  	_ =	shalt  }
0x57: {  	_ =	shalt  }
0x58: {  	_ =	shalt  }
0x59: {  	_ =	shalt  }
0x5a: {  	_ =	shalt  }
0x5b: {  	_ =	shalt  }
0x5c: {  	_ =	shalt  }
0x5d: {  	_ =	shalt  }
0x5e: {  	_ =	shalt  }
0x5f: {  	_ =	shalt  }
0x60: {  	_ =	shalt  }
0x61: {  	_ =	shalt  }
0x62: {  	_ =	shalt  }
0x63: {  	_ =	shalt  }
0x64: {  	_ =	shalt  }
0x65: {  	_ =	shalt  }
0x66: {  	_ =	shalt  }
0x67: {  	_ =	shalt  }
0x68: {  	_ =	shalt  }
0x69: {  	_ =	shalt  }
0x6a: {  	_ =	shalt  }
0x6b: {  	_ =	shalt  }
0x6c: {  	_ =	shalt  }
0x6d: {  	_ =	shalt  }
0x6e: {  	_ =	shalt  }
0x6f: {  	_ =	shalt  }
0x70: {  	_ =	shalt  }
0x71: {  	_ =	shalt  }
0x72: {  	_ =	shalt  }
0x73: {  	_ =	shalt  }
0x74: {  	_ =	shalt  }
0x75: {  	_ =	shalt  }
0x76: {  	_ =	shalt  }
0x77: {  	_ =	shalt  }
0x78: {  	_ =	shalt  }
0x79: {  	_ =	shalt  }
0x7a: {  	_ =	shalt  }
0x7b: {  	_ =	shalt  }
0x7c: {  	_ =	shalt  }
0x7d: {  	_ =	shalt  }
0x7e: {  	_ =	shalt  }
0x7f: {  	_ =	shalt  }
0x80: {  	_ =	shalt  }
0x81: {  	_ =	shalt  }
0x82: {  	_ =	shalt  }
0x83: {  	_ =	shalt  }
0x84: {  	_ =	shalt  }
0x85: {  	_ =	shalt  }
0x86: {  	_ =	shalt  }
0x87: {  	_ =	shalt  }
.Lfunc_end0:
.L_simem_size_0:
called_computation.2_lowered:
.L_overlay_start_0:
0x88: {  	s2 =	sld [smem:$0x3FD9]  }
0x89: {  	s3 =	sld [smem:$0x3FFE];
	_ =	sdelay $0x1  }
0x8a: {  	s1 =	srdreg.scid  }
0x8b: {  	s0 =	sand.u32 $0x1, s1  }
0x8c: {  	s17 =	sshll.u32 s0, $0xA;
	s2 =	sadd.s32 s3, s2  }
0x8d: {  	s2 =	sadd.s32 s2, s17  }
0x8e: {  	[smem:$0x3FC2] =	sst s2  }
0x8f: {  	_ = 	snop  }
0x90: {  	s2 =	sld [smem:$0x3FD0];
	(tm) =	ssettm $0x1  }
0x91: {  	s18 =	sld [smem:$0x3FFB];
	_ =	sdelay $0x3  }
0x92: {  	_ =	strace s18  }
0x93: {  	s3 =	sld [smem:$0x3FFC];
	_ =	sdelay $0x3  }
0x94: {  	_ =	strace s3  }
0x95: {  	s3 =	sld [smem:$0x3FFD];
	_ =	sdelay $0x3  }
0x96: {  	_ =	strace s3  }
0x97: {  	_ =	strace $0x8FFFFFFF  }
0x98: {  	s19 =	sld [smem:$0x3FDB];
	_ =	sdelay $0x1  }
0x99: {  	s4 =	simm.s32 $_scs_section_size  }
0x9a: {  	s5 =	simm.s32 $_size__tile_overlayer_lowered;
	s6 =	simm.s32 $_tile_overlayer_lowered  }
0x9b: {  	s22 =	simm.s32 $0x1BFF;
	s21 =	sshll.u32 s6, $0x1;
	s3 =	sadd.s32 s4, s19  }
0x9c: {  	s7 =	simm.s32 $0x0;
	s20 =	sshll.u32 s5, $0x1;
	s5 =	sadd.s32 s21, s3  }
0x9d: {  	[timem:s7], [sflag:s22] =	dma.local [hbm:s5], s20  }
0x9e: {  	_ =	swait.ge [sflag:s22], s20  }
0x9f: {  	s4 =	ssub.s32 $0x0, s20;
	[sflag:s22] =	ssyncset.done $0x0  }
0xa0: {  	[sflag:s22] =	ssyncadd.s32 s4;
	_ =	sdelay $0x1  }
0xa1: {  	s23 =	simm.s32 $0x1B8B  }
0xa2: {  	_ =	swait.ge [sflag:s23], $0x1  }
0xa3: {  	[sflag:s23] =	ssyncset.done $0x0  }
0xa4: {  	s25 =	simm.s32 $0x1B8E;
	s24 =	sld [smem:$0x3FFE];
	[sflag:s23] =	ssyncadd.s32 $0xFFFFFFFF  }
0xa5: {  	s26 =	simm.s32 $execute0_lowered;
	[smem:$0x3FD2] =	sst s25  }
0xa6: {  	s5 =	sshll.u32 s26, $0x1;
	_ =	strace $0x8000004C;
	[dreg:$0x1] =	wrdreg $0xFFFFFFFF  }
0xa7: {  	s28 =	simm.s32 $_size_execute0_lowered;
	s3 =	sadd.s32 s3, s5;
	[dreg:$0x0] =	wrdreg $0x0  }
0xa8: {  	s5 =	sshll.u32 s28, $0x1;
	[dreg:$0x2] =	wrdreg s3  }
0xa9: {  	[dreg:$0x3] =	wrdreg s5  }
0xaa: {  	[dreg:$0x4] =	wrdreg $0xC0  }
0xab: {  	_ =	task [dreg:s7], $0x5FFFF  }
0xac: {  	[dreg:$0x1] =	wrdreg $0xFFFFFFFF  }
0xad: {  	[dreg:$0x0] =	wrdreg $0x60  }
0xae: {  	[dreg:$0x2] =	wrdreg s2  }
0xaf: {  	[dreg:$0x3] =	wrdreg s24  }
0xb0: {  	[dreg:$0x4] =	wrdreg $0x82000  }
0xb1: {  	[dreg:$0x5] =	wrdreg $0x9  }
0xb2: {  	_ =	task.clear_ibuf [dreg:s7], $0x6FFFF;
	_ =	strace $0x9000004C  }
0xb3: {  	s29 =	simm.s32 $0x9;
	_ =	strace $0x8000004E  }
0xb4: {  	_ =	swait.ge [sflag:s29], $0x1  }
0xb5: {  	[sflag:s29] =	ssyncadd.s32 $0xFFFFFFFF  }
0xb6: {  	_ =	strace $0x9000004E  }
0xb7: {  	_ =	sfence  }
0xb8: {  	s30 =	sld [smem:$0x0];
	_ =	sdelay $0x2  }
0xb9: {  	s31 =	sshll.u32 s1, $0xD;
	s1 =	sshrl.u32 s1, $0x2  }
0xba: {  	s3 =	sand.u32 $0x4000, s31;
	s1 =	sadd.s32 s1, s30  }
0xbb: {  	s0 =	sor.u32 s3, s0;
	s1 =	sshll.u32 s1, $0x11  }
0xbc: {  	s0 =	sor.u32 s1, s0  }
0xbd: {  	s0 =	sadd.s32 $0x8F2B, s0  }
0xbe: {  	[sflag:s0] =	ssyncadd.remote.s32 $0x1  }
0xbf: {  	_ =	sfence.sel $0xFFFF  }
0xc0: {  	[dreg:$0x0] =	wrdreg $0xFFFFFFFF;
	(pc) =	sbr.abs _section_cstart, $3  }
0xc1: {  	[dreg:$0x1] =	wrdreg $0xFFFFFFFF  }
0xc2: {  	_ =	task.clear_ibuf [dreg:s7], $0x2FFFF;
	_ =	strace $0x9FFFFFFF  }
0xc3: {  	(tm) =	ssettm $0x7FFFFFFF  }
tec
execute0_lowered:
.L_overlay_start_1:
0x0: {  	(tag) =	ssettag $0x1  }
0x1: {  	s1 =	rddreg [dreg:$0x0]  }
0x2: {  	s0 =	rddreg [dreg:$0x1]  }
0x3: {  	s3 =	rddreg [dreg:$0x2];
	s2 =	srdreg.scid  }
0x4: {  	s11 =	stileid.u32;
	s4 =	simm.s32 $0x0;
	s28 =	simm.s32 $0x4200  }
0x5: {  	s29 =	simm.s32 $0x1;
	s30 =	simm.s32 $0x2;
	s7 =	smul.u32 $0x50000, s11  }
0x6: {  	s31 =	simm.s32 $0x180;
	s2 =	sand.u32 $0x1, s2;
	s17 =	smul.u32 $0x14000, s11  }
0x7: {  	[smem:$0x7FF] =	sst s4;
	s5 =	sadd.s32 $0x5D600, s0;
	s11 =	smul.u32 $0x2800, s11  }
0x8: {  	s6 =	sadd.s32 $0x3600, s0;
	s0 =	sadd.s32 $0x67600, s0;
	s8 =	smul.u32 $0x28000, s2  }
0x9: {  	_ =	strace $0x8000004D;
	s9 =	smul.u32 $0x140000, s2;
	s2 =	ssub.s32 $0x2, s2  }
0xa: {  	s10 =	sshrl.u32 s2, $0x1;
	s7 =	sshrl.u32 s7, $0x2;
	s23 =	sadd.s32 $0x4000, s17  }
0xb: {  	s18 =	sadd.s32 $0x8000, s17;
	s19 =	sadd.s32 $0xC000, s17;
	s21 =	sadd.s32 $0x10000, s17  }
0xc: {  	s2 =	ssub.s32 s2, s10;
	s22 =	sadd.s32 s9, s17;
	s7 =	sadd.s32 s7, s3  }
0xd: {  	s8 =	sadd.s32 s11, s8;
	s14 =	sadd.s32 s9, s23;
	s16 =	sadd.s32 s9, s18  }
0xe: {  	s20 =	sadd.s32 s9, s19;
	s9 =	sadd.s32 s9, s21;
	s26 =	sadd.s32 s21, s3  }
0xf: {  	s21 =	simm.s32 $0x100;
	s10 =	sshrl.u32 s22, $0x3;
	s2 =	smax.u32 s2, $0x1  }
0x10: {  	s24 =	sadd.s32 $0x4000, s7;
	s12 =	sadd.s32 $0x8000, s7;
	s13 =	sadd.s32 $0xC000, s7  }
0x11: {  	s15 =	sshrl.u32 s14, $0x3;
	s14 =	sadd.s32 $0x10000, s7;
	s16 =	sshrl.u32 s16, $0x3  }
0x12: {  	s25 =	sshrl.u32 s20, $0x3;
	s9 =	sshrl.u32 s9, $0x3;
	[dreg:$0x5] =	wrdreg s2  }
0x13: {  	s20 =	simm.s32 $0x3;
	s10 =	sadd.s32 s0, s10;
	[dreg:$0x6] =	wrdreg s24  }
0x14: {  	s15 =	sadd.s32 s0, s15;
	s2 =	sadd.s32 s23, s3;
	s16 =	sadd.s32 s0, s16  }
0x15: {  	s23 =	sadd.s32 s18, s3;
	s17 =	sadd.s32 s0, s25;
	s24 =	sadd.s32 s19, s3  }
0x16: {  	s18 =	sadd.s32 s0, s9;
	s19 =	simm.s32 $0x200;
	s25 =	sshrl.u32 s26, $0x3  }
0x17: {  	s26 =	simm.s32 $0x80;
	s0 =	simm.s32 $0x0;
	[dreg:$0x4] =	wrdreg s10  }
0x18: {  	v0 =	vimm.f32 $0.0e+00;
	s22 =	sshrl.u32 s2, $0x3;
	s23 =	sshrl.u32 s23, $0x3;
	s24 =	sshrl.u32 s24, $0x3  }
.LBB2_1:
0x19: {  	s2 =	simm.s32 $0x0;
	s9 =	simm.s32 $0x200  }
.LBB2_2:
0x1a: {  	p0 =	sne.s32 s9, $0xFE00;
	[tilespmem:s2+$0x270] =	vst v0  }
0x1b: {  	[tilespmem:s2+$0x200] =	vst v0  }
0x1c: {  	[tilespmem:s2+$0x210] =	vst v0  }
.Ltmp0:
0x1d: {  	[tilespmem:s2+$0x220] =	vst v0;
	(pc) =	sbr.rel @p0 .LBB2_2-.Ltmp0, $4  }
0x1e: {  	[tilespmem:s2+$0x230] =	vst v0  }
0x1f: {  	[tilespmem:s2+$0x240] =	vst v0  }
0x20: {  	[tilespmem:s2+$0x250] =	vst v0  }
0x21: {  	[tilespmem:s2+$0x260] =	vst v0;
	s2 =	sshra.s32 s9, $0x2;
	s9 =	sadd.s32 $0x200, s9  }
0x22: {  	[tilespmem:s2+$0x270] =	vst v0  }
0x23: {  	[tilespmem:s2+$0x200] =	vst v0  }
0x24: {  	[tilespmem:s2+$0x210] =	vst v0  }
0x25: {  	[tilespmem:s2+$0x220] =	vst v0  }
0x26: {  	[tilespmem:s2+$0x230] =	vst v0  }
0x27: {  	[tilespmem:s2+$0x240] =	vst v0  }
0x28: {  	[tilespmem:s2+$0x250] =	vst v0  }
0x29: {  	[tilespmem:s2+$0x260] =	vst v0  }
0x2a: {  	[spmem:s7] =	stream.linear.scatter [tilespmem:s19], [sflag:$0x3], $0x4000, $0x38;
	[tilespmem:$0x1C200] =	vst v63  }
0x2b: {  	_ =	swait.ge [sflag:s20], $0x4000  }
0x2c: {  	[sflag:s20] =	ssyncset.done $0x0  }
0x2d: {  	s9 =	rddreg [dreg:$0x6];
	[sflag:s20] =	ssyncadd.s32 $0xFFFFC000  }
0x2e: {  	[spmem:s9] =	stream.linear.scatter [tilespmem:s19], [sflag:$0x3], $0x4000, $0x38;
	[tilespmem:$0x1C200] =	vst v63  }
0x2f: {  	_ =	swait.ge [sflag:s20], $0x4000  }
0x30: {  	[sflag:s20] =	ssyncset.done $0x0  }
0x31: {  	[sflag:s20] =	ssyncadd.s32 $0xFFFFC000  }
0x32: {  	[spmem:s12] =	stream.linear.scatter [tilespmem:s19], [sflag:$0x3], $0x4000, $0x38;
	[tilespmem:$0x1C200] =	vst v63  }
0x33: {  	_ =	swait.ge [sflag:s20], $0x4000  }
0x34: {  	[sflag:s20] =	ssyncset.done $0x0  }
0x35: {  	[sflag:s20] =	ssyncadd.s32 $0xFFFFC000  }
0x36: {  	[spmem:s13] =	stream.linear.scatter [tilespmem:s19], [sflag:$0x3], $0x4000, $0x38;
	[tilespmem:$0x1C200] =	vst v63  }
0x37: {  	_ =	swait.ge [sflag:s20], $0x4000  }
0x38: {  	s10 =	simm.s32 $0x0;
	[sflag:s20] =	ssyncset.done $0x0  }
0x39: {  	s9 =	sand.u32 $0x3C00, s10;
	[sflag:s20] =	ssyncadd.s32 $0xFFFFC000  }
0x3a: {  	[spmem:s14] =	stream.linear.scatter [tilespmem:s19], [sflag:$0x3], $0x4000, $0x38;
	[tilespmem:$0x1C200] =	vst v63  }
0x3b: {  	s2 =	sand.u32 $0x300, s10;
	s9 =	sadd.s32 s9, s8;
	_ =	swait.ge [sflag:s20], $0x4000  }
0x3c: {  	s2 =	sor.u32 s2, s9;
	[sflag:s20] =	ssyncset.done $0x0  }
0x3d: {  	s2 =	sshrl.u32 s2, $0x3;
	[sflag:s20] =	ssyncadd.s32 $0xFFFFC000  }
0x3e: {  	s11 =	sadd.s32 s5, s2;
	[bflag:$0x0] =	sbarrier.arrive $0xFFFF  }
0x3f: {  	[tilespmem:s4], [sflag:$0x3] =	stream.linear.gather [hbm4b:s11+s4], $0x100, $0x38;
	[tilespmem:$0x1C200] =	vst v63  }
0x40: {  	_ =	swait.ge [sflag:s20], $0x100  }
0x41: {  	[sflag:s20] =	ssyncset.done $0x0  }
0x42: {  	s2 =	sadd.s32 s6, s2;
	[sflag:s20] =	ssyncadd.s32 $0xFFFFFF00  }
0x43: {  	[tilespmem:s21], [sflag:$0x3] =	stream.linear.gather [hbm4b:s2+s4], $0x100, $0x38;
	[tilespmem:$0x1C200] =	vst v63  }
0x44: {  	_ =	swait.ge [sflag:s20], $0x100  }
0x45: {  	[sflag:s20] =	ssyncset.done $0x0  }
0x46: {  	[sflag:s20] =	ssyncadd.s32 $0xFFFFFF00  }
0x47: {  	[tilespmem:s19], [sflag:$0x1] =	stream.indirect.gather [hbm4b:s1+s26], $0x80, s4, s26, $0xb8;
	[tilespmem:$0x1C200] =	vst v63  }
0x48: {  	_ = 	snop  }
0x49: {  	[tilespmem:s28], [sflag:$0x2] =	stream.indirect.gather [hbm4b:s1+s26], $0x80, s26, s26, $0xb8;
	[tilespmem:$0x1C200] =	vst v63  }
0x4a: {  	_ =	swait.ge [sflag:s29], $0x4000  }
0x4b: {  	[sflag:s29] =	ssyncset.done $0x0  }
0x4c: {  	[sflag:s29] =	ssyncadd.s32 $0xFFFFC000  }
0x4d: {  	[spmem:s3] =	stream.indirect.scatter.add.f32 [tilespmem:s19], [sflag:$0x3], $0x80, s21, s26, $0xb8;
	[tilespmem:$0x1C200] =	vst v63  }
0x4e: {  	_ =	swait.ge [sflag:s20], $0x4000  }
0x4f: {  	s10 =	simm.s32 $0x100;
	[sflag:s20] =	ssyncset.done $0x0  }
0x50: {  	s11 =	sand.u32 $0x3C00, s10;
	[sflag:s20] =	ssyncadd.s32 $0xFFFFC000  }
0x51: {  	s9 =	sadd.s32 s11, s8;
	s2 =	sand.u32 $0x300, s10;
	_ =	swait.ge [sflag:s30], $0x4000  }
0x52: {  	s9 =	sor.u32 s2, s9;
	[sflag:s30] =	ssyncset.done $0x0  }
0x53: {  	s2 =	simm.s32 $0x200;
	s9 =	sshrl.u32 s9, $0x3;
	[sflag:s30] =	ssyncadd.s32 $0xFFFFC000  }
.LBB2_4:
0x54: {  	[spmem:s3] =	stream.indirect.scatter.add.f32 [tilespmem:s28], [sflag:$0x3], $0x80, s31, s26, $0xb8;
	[tilespmem:$0x1C200] =	vst v63  }
0x55: {  	s10 =	smov.u32 s2  }
0x56: {  	p0 =	sne.s32 s2, $0x2700;
	s2 =	sadd.s32 $0x100, s2;
	_ =	swait.ge [sflag:s20], $0x4000  }
0x57: {  	[sflag:s20] =	ssyncset.done $0x0  }
0x58: {  	s11 =	sadd.s32 s5, s9;
	[sflag:s20] =	ssyncadd.s32 $0xFFFFC000  }
0x59: {  	[tilespmem:s4], [sflag:$0x3] =	stream.linear.gather [hbm4b:s11+s4], $0x100, $0x38;
	[tilespmem:$0x1C200] =	vst v63  }
0x5a: {  	_ =	swait.ge [sflag:s20], $0x100  }
0x5b: {  	[sflag:s20] =	ssyncset.done $0x0  }
0x5c: {  	s9 =	sadd.s32 s6, s9;
	[sflag:s20] =	ssyncadd.s32 $0xFFFFFF00  }
0x5d: {  	[tilespmem:s21], [sflag:$0x3] =	stream.linear.gather [hbm4b:s9+s4], $0x100, $0x38;
	[tilespmem:$0x1C200] =	vst v63  }
0x5e: {  	_ =	swait.ge [sflag:s20], $0x100  }
0x5f: {  	[sflag:s20] =	ssyncset.done $0x0  }
0x60: {  	[sflag:s20] =	ssyncadd.s32 $0xFFFFFF00  }
0x61: {  	[tilespmem:s19], [sflag:$0x1] =	stream.indirect.gather [hbm4b:s1+s26], $0x80, s4, s26, $0xb8;
	[tilespmem:$0x1C200] =	vst v63  }
0x62: {  	_ = 	snop  }
0x63: {  	[tilespmem:s28], [sflag:$0x2] =	stream.indirect.gather [hbm4b:s1+s26], $0x80, s26, s26, $0xb8;
	[tilespmem:$0x1C200] =	vst v63  }
0x64: {  	_ =	swait.ge [sflag:s29], $0x4000  }
0x65: {  	[sflag:s29] =	ssyncset.done $0x0  }
0x66: {  	[sflag:s29] =	ssyncadd.s32 $0xFFFFC000  }
0x67: {  	[spmem:s3] =	stream.indirect.scatter.add.f32 [tilespmem:s19], [sflag:$0x3], $0x80, s21, s26, $0xb8;
	[tilespmem:$0x1C200] =	vst v63  }
0x68: {  	_ =	swait.ge [sflag:s20], $0x4000  }
.Ltmp1:
0x69: {  	[sflag:s20] =	ssyncset.done $0x0;
	(pc) =	sbr.rel @p0 .LBB2_4-.Ltmp1, $4  }
0x6a: {  	s9 =	sand.u32 $0x3C00, s10;
	[sflag:s20] =	ssyncadd.s32 $0xFFFFC000  }
0x6b: {  	s10 =	sand.u32 $0x300, s10;
	s9 =	sadd.s32 s9, s8;
	_ =	swait.ge [sflag:s30], $0x4000  }
0x6c: {  	s9 =	sor.u32 s10, s9;
	[sflag:s30] =	ssyncset.done $0x0  }
0x6d: {  	s9 =	sshrl.u32 s9, $0x3;
	[sflag:s30] =	ssyncadd.s32 $0xFFFFC000  }
0x6e: {  	[spmem:s3] =	stream.indirect.scatter.add.f32 [tilespmem:s28], [sflag:$0x3], $0x80, s31, s26, $0xb8;
	[tilespmem:$0x1C200] =	vst v63  }
0x6f: {  	_ =	swait.ge [sflag:s20], $0x4000  }
0x70: {  	[sflag:s20] =	ssyncset.done $0x0  }
0x71: {  	s2 =	sadd.s32 s5, s9;
	[sflag:s20] =	ssyncadd.s32 $0xFFFFC000  }
0x72: {  	[tilespmem:s4], [sflag:$0x3] =	stream.linear.gather [hbm4b:s2+s4], $0x100, $0x38;
	[tilespmem:$0x1C200] =	vst v63  }
0x73: {  	_ =	swait.ge [sflag:s20], $0x100  }
0x74: {  	[sflag:s20] =	ssyncset.done $0x0  }
0x75: {  	s9 =	sadd.s32 s6, s9;
	[sflag:s20] =	ssyncadd.s32 $0xFFFFFF00  }
0x76: {  	[tilespmem:s21], [sflag:$0x3] =	stream.linear.gather [hbm4b:s9+s4], $0x100, $0x38;
	[tilespmem:$0x1C200] =	vst v63  }
0x77: {  	_ =	swait.ge [sflag:s20], $0x100  }
0x78: {  	[sflag:s20] =	ssyncset.done $0x0  }
0x79: {  	[sflag:s20] =	ssyncadd.s32 $0xFFFFFF00  }
0x7a: {  	[tilespmem:s19], [sflag:$0x1] =	stream.indirect.gather [hbm4b:s1+s26], $0x80, s4, s26, $0xb8;
	[tilespmem:$0x1C200] =	vst v63  }
0x7b: {  	_ = 	snop  }
0x7c: {  	[tilespmem:s28], [sflag:$0x2] =	stream.indirect.gather [hbm4b:s1+s26], $0x80, s26, s26, $0xb8;
	[tilespmem:$0x1C200] =	vst v63  }
0x7d: {  	_ =	swait.ge [sflag:s29], $0x4000  }
0x7e: {  	[sflag:s29] =	ssyncset.done $0x0  }
0x7f: {  	[sflag:s29] =	ssyncadd.s32 $0xFFFFC000  }
0x80: {  	[spmem:s3] =	stream.indirect.scatter.add.f32 [tilespmem:s19], [sflag:$0x3], $0x80, s21, s26, $0xb8;
	[tilespmem:$0x1C200] =	vst v63  }
0x81: {  	_ =	swait.ge [sflag:s20], $0x4000  }
0x82: {  	[sflag:s20] =	ssyncset.done $0x0  }
0x83: {  	[sflag:s20] =	ssyncadd.s32 $0xFFFFC000  }
0x84: {  	_ =	swait.ge [sflag:s30], $0x4000  }
0x85: {  	[sflag:s30] =	ssyncset.done $0x0  }
0x86: {  	[sflag:s30] =	ssyncadd.s32 $0xFFFFC000  }
0x87: {  	[spmem:s3] =	stream.indirect.scatter.add.f32 [tilespmem:s28], [sflag:$0x3], $0x80, s31, s26, $0xb8;
	[tilespmem:$0x1C200] =	vst v63  }
0x88: {  	_ =	swait.ge [sflag:s20], $0x4000  }
0x89: {  	[sflag:s20] =	ssyncset.done $0x0  }
0x8a: {  	s10 =	stileid.u32;
	[sflag:s20] =	ssyncadd.s32 $0xFFFFC000  }
0x8b: {  	s2 =	sshll.u32 s10, $0x6;
	[bflag:$0x0] =	sbarrier.arrive $0xFFFF  }
0x8c: {  	s11 =	sshrl.u32 s7, $0x3;
	s2 =	sor.u32 $0x1C03, s2;
	s10 =	rddreg [dreg:$0x4]  }
0x8d: {  	[hbm:s10], [sflag:s2] =	dma.local [spmem:s11], $0x800  }
0x8e: {  	_ =	swait.ge [sflag:s20], $0x800  }
0x8f: {  	[sflag:s20] =	ssyncset.done $0x0  }
0x90: {  	[sflag:s20] =	ssyncadd.s32 $0xFFFFF800  }
0x91: {  	[hbm:s15], [sflag:s2] =	dma.local [spmem:s22], $0x800  }
0x92: {  	_ =	swait.ge [sflag:s20], $0x800  }
0x93: {  	[sflag:s20] =	ssyncset.done $0x0  }
0x94: {  	[sflag:s20] =	ssyncadd.s32 $0xFFFFF800  }
0x95: {  	[hbm:s16], [sflag:s2] =	dma.local [spmem:s23], $0x800  }
0x96: {  	_ =	swait.ge [sflag:s20], $0x800  }
0x97: {  	[sflag:s20] =	ssyncset.done $0x0  }
0x98: {  	[sflag:s20] =	ssyncadd.s32 $0xFFFFF800  }
0x99: {  	[hbm:s17], [sflag:s2] =	dma.local [spmem:s24], $0x800  }
0x9a: {  	_ =	swait.ge [sflag:s20], $0x800  }
0x9b: {  	[sflag:s20] =	ssyncset.done $0x0  }
0x9c: {  	[sflag:s20] =	ssyncadd.s32 $0xFFFFF800  }
0x9d: {  	[hbm:s18], [sflag:s2] =	dma.local [spmem:s25], $0x800  }
0x9e: {  	_ =	swait.ge [sflag:s20], $0x800  }
0x9f: {  	s0 =	sadd.s32 $0x1, s0;
	s11 =	rddreg [dreg:$0x5]  }
0xa0: {  	p0 =	sne.s32 s0, s11  }
.Ltmp2:
0xa1: {  	_ = 	snop;
	(pc) =	sbr.rel @p0 .LBB2_1-.Ltmp2, $3  }
0xa2: {  	_ =	sdelay $0x1  }
0xa3: {  	[sflag:s20] =	ssyncset.done $0x0  }
0xa4: {  	[sflag:s20] =	ssyncadd.s32 $0xFFFFF800  }
0xa5: {  	_ =	sfence.sel $0x180000  }
0xa6: {  	[bflag:$0x0] =	sbarrier.arrive $0xFFFF  }
0xa7: {  	_ =	strace $0x9000004D  }
0xa8: {  	s0 =	stileid.u32;
	[bflag:$0x2] =	sbarrier.arrive $0xFFFF  }
0xa9: {  	p0 =	sne.s32 s0, $0x0;
	s0 =	rddreg [dreg:$0x3]  }
0xaa: {  	s0 =	sadd.s32 @!p0 $0x100000, s0  }
0xab: {  	[sflag:s0] =	ssyncadd.tile.s32 @!p0 $0x1;
	_ =	shalt  }
.Lfunc_end2:
_tile_overlayer_lowered:
.L_overlay_start_2:
0xac: {  	(tag) =	ssettag $0x2  }
0xad: {  	s0 =	rddreg [dreg:$0x0];
	s2 =	stileid.u32  }
0xae: {  	s1 =	rddreg [dreg:$0x1];
	p0 =	sne.s32 s2, $0x0  }
0xaf: {  	s3 =	rddreg [dreg:$0x2];
	[bflag:$0x3] =	sbarrier.arrive $0xFFFF;
	s2 =	simm.s32 @!p0 $0x1C03  }
0xb0: {  	[timem:s3], [sflag:s2] =	dma.local @!p0 [hbm:s0], s1  }
0xb1: {  	s0 =	simm.s32 @!p0 $0x3  }
0xb2: {  	_ =	swait.ge @!p0 [sflag:s0], s1  }
0xb3: {  	s1 =	ssub.s32 @!p0 $0x0, s1;
	[sflag:s0] =	ssyncset.done @!p0 $0x0  }
0xb4: {  	[sflag:s0] =	ssyncadd.s32 @!p0 s1  }
0xb5: {  	[bflag:$0x3] =	sbarrier.arrive $0xFFFF  }
0xb6: {  	_ =	shalt  }

// kernel: kernel.9.cloned.1.call-start
scs
__scs_entry_jumppad:
0x0: {  	(pc) =	sbr.rel $0x88, $3  }
0x1: {  	(tag) =	ssettag $0x0;
	lr =	simm.s32 $0x1  }
0x2: {  	[smem:$0x3F9B] =	sst lr;
	_ =	strace $0xD0000000  }
0x3: {  	_ = 	snop  }
0x4: {  	_ = 	snop  }
0x5: {  	_ = 	snop  }
0x6: {  	_ = 	snop  }
0x7: {  	_ = 	snop  }
__scs_overlays_trampoline_lowered:
0x8: {  	[smem:$0x3FAA] =	sst s0  }
0x9: {  	[smem:$0x3FAB] =	sst s1  }
0xa: {  	[smem:$0x3FAC] =	sst s2  }
0xb: {  	[smem:$0x3FAD] =	sst s3  }
0xc: {  	[smem:$0x3FAE] =	sst s4  }
0xd: {  	[smem:$0x3FAF] =	sst s5  }
0xe: {  	[smem:$0x3FB0] =	sst s6  }
0xf: {  	[smem:$0x3FB1] =	sst s7  }
0x10: {  	[smem:$0x3FB2] =	sst s8  }
0x11: {  	[smem:$0x3FB3] =	sst s9;
	s0 =	simm.s32 @!p0 $0x0  }
0x12: {  	s1 =	sld [smem:$0x3F99];
	s0 =	simm.s32 @p0 $0x1  }
0x13: {  	[smem:$0x3FB4] =	sst s0;
	s0 =	simm.s32 @!p1 $0x0  }
0x14: {  	s2 =	sld [smem:$0x3F98];
	s0 =	simm.s32 @p1 $0x1  }
0x15: {  	[smem:$0x3FB5] =	sst s0;
	s0 =	simm.s32 @!p2 $0x0  }
0x16: {  	s3 =	sld [smem:$0x3FDB];
	s0 =	simm.s32 @p2 $0x1  }
0x17: {  	s4 =	simm.s32 $0x1BF5;
	[smem:$0x3FB7] =	sst s0  }
0x18: {  	s0 =	sld [smem:$0x3F9A];
	_ =	swait.ge [sflag:s4], $0x0  }
0x19: {  	s7 =	sld [smem:$0x3F9B]  }
0x1a: {  	s8 =	sadd.s32 $0xFFFFE003, lr  }
0x1b: {  	s9 =	sadd.s32 $0xFFFFFEF7, lr;
	s5 =	simm.s32 $0xFFFFFFFF;
	p2 =	slt.u32 s8, $0xFFFFF086  }
0x1c: {  	p1 =	slt.u32 s9, $0xF7A;
	s5 =	simm.s32 @!p2 $0x0  }
0x1d: {  	s5 =	simm.s32 @p1 $0x1;
	p0 =	seq.s32 s7, s2  }
0x1e: {  	s7 =	smul.u32 @!p0 $0xF7A, s2;
	p2 =	seq.s32 @!p0 s5, $0x0  }
0x1f: {  	s9 =	smul.u32 $0xF7A, s1;
	s8 =	simm.s32 @!p0 $0x1BF5;
	p2 =	por !p2, p0  }
0x20: {  	[sflag:s8] =	ssyncset.s32 @!p0 $0xFFFFF086;
	s6 =	sadd.s32 @!p0 s3, s7;
	s7 =	simm.s32 @!p0 $0x108  }
0x21: {  	s3 =	sadd.s32 s3, s9;
	s6 =	sadd.s32 @!p0 $0x88, s6;
	s7 =	simm.s32 @p2 $0x1082  }
0x22: {  	[simem:s7], [sflag:s8] =	dma.local @!p0 [hbm:s6], $0xF7A  }
0x23: {  	s9 =	sor.u32 $0xD0000000, s2;
	s6 =	simm.s32 $0x108;
	_ =	swait.ge @!p0 [sflag:s8], $0x0  }
0x24: {  	s3 =	sadd.s32 $0x88, s3;
	s6 =	simm.s32 @!p1 $0x1082;
	[sflag:s4] =	ssyncset.s32 $0xFFFFF086  }
0x25: {  	[simem:s6], [sflag:s4] =	dma.local [hbm:s3], $0xF7A  }
0x26: {  	[smem:$0x3F9B] =	sst s1;
	(tag) =	ssettag s2;
	_ =	strace s9  }
0x27: {  	s1 =	sld [smem:$0x3FAB]  }
0x28: {  	s2 =	sld [smem:$0x3FAC]  }
0x29: {  	s4 =	sld [smem:$0x3FAE]  }
0x2a: {  	p0 =	seq.s32 s5, $0x0;
	s5 =	sld [smem:$0x3FAF]  }
0x2b: {  	s6 =	sld [smem:$0x3FB0]  }
0x2c: {  	s7 =	sld [smem:$0x3FB1]  }
0x2d: {  	s3 =	simm.s32 $0x108;
	s8 =	sld [smem:$0x3FB2]  }
0x2e: {  	s3 =	simm.s32 @!p0 $0x1082;
	s9 =	sld [smem:$0x3FB3]  }
0x2f: {  	lr =	sadd.s32 s0, s3;
	s0 =	sld [smem:$0x3FAA]  }
0x30: {  	s3 =	sld [smem:$0x3FAD]  }
0x31: {  	[smem:$0x3FB6] =	sst s10  }
0x32: {  	s10 =	sld [smem:$0x3FB4];
	_ =	sdelay $0x3  }
0x33: {  	p0 =	seq.s32 s10, $0x1;
	s10 =	sld [smem:$0x3FB6];
	_ =	sdelay $0x3  }
0x34: {  	[smem:$0x3FB6] =	sst s10  }
0x35: {  	s10 =	sld [smem:$0x3FB5];
	_ =	sdelay $0x3  }
0x36: {  	p1 =	seq.s32 s10, $0x1;
	s10 =	sld [smem:$0x3FB6];
	_ =	sdelay $0x3  }
0x37: {  	[smem:$0x3FB6] =	sst s10  }
0x38: {  	s10 =	sld [smem:$0x3FB7]  }
0x39: {  	_ = 	snop;
	(pc) =	sbr.ind lr, $3  }
0x3a: {  	_ = 	snop  }
0x3b: {  	_ = 	snop  }
0x3c: {  	p2 =	seq.s32 s10, $0x1;
	s10 =	sld [smem:$0x3FB6]  }
0x3d: {  	_ =	shalt  }
0x3e: {  	_ =	shalt  }
0x3f: {  	_ =	shalt  }
0x40: {  	_ =	shalt  }
0x41: {  	_ =	shalt  }
0x42: {  	_ =	shalt  }
0x43: {  	_ =	shalt  }
0x44: {  	_ =	shalt  }
0x45: {  	_ =	shalt  }
0x46: {  	_ =	shalt  }
0x47: {  	_ =	shalt  }
0x48: {  	_ =	shalt  }
0x49: {  	_ =	shalt  }
0x4a: {  	_ =	shalt  }
0x4b: {  	_ =	shalt  }
0x4c: {  	_ =	shalt  }
0x4d: {  	_ =	shalt  }
0x4e: {  	_ =	shalt  }
0x4f: {  	_ =	shalt  }
0x50: {  	_ =	shalt  }
0x51: {  	_ =	shalt  }
0x52: {  	_ =	shalt  }
0x53: {  	_ =	shalt  }
0x54: {  	_ =	shalt  }
0x55: {  	_ =	shalt  }
0x56: {  	_ =	shalt  }
0x57: {  	_ =	shalt  }
0x58: {  	_ =	shalt  }
0x59: {  	_ =	shalt  }
0x5a: {  	_ =	shalt  }
0x5b: {  	_ =	shalt  }
0x5c: {  	_ =	shalt  }
0x5d: {  	_ =	shalt  }
0x5e: {  	_ =	shalt  }
0x5f: {  	_ =	shalt  }
0x60: {  	_ =	shalt  }
0x61: {  	_ =	shalt  }
0x62: {  	_ =	shalt  }
0x63: {  	_ =	shalt  }
0x64: {  	_ =	shalt  }
0x65: {  	_ =	shalt  }
0x66: {  	_ =	shalt  }
0x67: {  	_ =	shalt  }
0x68: {  	_ =	shalt  }
0x69: {  	_ =	shalt  }
0x6a: {  	_ =	shalt  }
0x6b: {  	_ =	shalt  }
0x6c: {  	_ =	shalt  }
0x6d: {  	_ =	shalt  }
0x6e: {  	_ =	shalt  }
0x6f: {  	_ =	shalt  }
0x70: {  	_ =	shalt  }
0x71: {  	_ =	shalt  }
0x72: {  	_ =	shalt  }
0x73: {  	_ =	shalt  }
0x74: {  	_ =	shalt  }
0x75: {  	_ =	shalt  }
0x76: {  	_ =	shalt  }
0x77: {  	_ =	shalt  }
0x78: {  	_ =	shalt  }
0x79: {  	_ =	shalt  }
0x7a: {  	_ =	shalt  }
0x7b: {  	_ =	shalt  }
0x7c: {  	_ =	shalt  }
0x7d: {  	_ =	shalt  }
0x7e: {  	_ =	shalt  }
0x7f: {  	_ =	shalt  }
0x80: {  	_ =	shalt  }
0x81: {  	_ =	shalt  }
0x82: {  	_ =	shalt  }
0x83: {  	_ =	shalt  }
0x84: {  	_ =	shalt  }
0x85: {  	_ =	shalt  }
0x86: {  	_ =	shalt  }
0x87: {  	_ =	shalt  }
.Lfunc_end0:
.L_simem_size_0:
called_computation_lowered:
.L_overlay_start_0:
0x88: {  	s2 =	sld [smem:$0x3FD9]  }
0x89: {  	s3 =	sld [smem:$0x3FFE];
	_ =	sdelay $0x1  }
0x8a: {  	s1 =	srdreg.scid  }
0x8b: {  	s0 =	sand.u32 $0x1, s1  }
0x8c: {  	s16 =	sshll.u32 s0, $0xA;
	s2 =	sadd.s32 s3, s2  }
0x8d: {  	s2 =	sadd.s32 s2, s16  }
0x8e: {  	[smem:$0x3FC2] =	sst s2  }
0x8f: {  	_ = 	snop  }
0x90: {  	(tm) =	ssettm $0x1  }
0x91: {  	s17 =	sld [smem:$0x3FFB];
	_ =	sdelay $0x3  }
0x92: {  	_ =	strace s17  }
0x93: {  	s2 =	sld [smem:$0x3FFC];
	_ =	sdelay $0x3  }
0x94: {  	_ =	strace s2  }
0x95: {  	s2 =	sld [smem:$0x3FFD];
	_ =	sdelay $0x3  }
0x96: {  	_ =	strace s2  }
0x97: {  	_ =	strace $0x8FFFFFFF  }
0x98: {  	s18 =	sld [smem:$0x3FDB];
	_ =	sdelay $0x1  }
0x99: {  	s19 =	simm.s32 $_scs_section_size  }
0x9a: {  	s4 =	simm.s32 $_size__tile_overlayer_lowered;
	s5 =	simm.s32 $_tile_overlayer_lowered  }
0x9b: {  	s22 =	simm.s32 $0x1BFF;
	s21 =	sshll.u32 s5, $0x1;
	s2 =	sadd.s32 s19, s18  }
0x9c: {  	s6 =	simm.s32 $0x0;
	s20 =	sshll.u32 s4, $0x1;
	s4 =	sadd.s32 s21, s2  }
0x9d: {  	[timem:s6], [sflag:s22] =	dma.local [hbm:s4], s20  }
0x9e: {  	_ =	swait.ge [sflag:s22], s20  }
0x9f: {  	s3 =	ssub.s32 $0x0, s20;
	[sflag:s22] =	ssyncset.done $0x0  }
0xa0: {  	[sflag:s22] =	ssyncadd.s32 s3;
	_ =	sdelay $0x1  }
0xa1: {  	s23 =	simm.s32 $0x1B8B  }
0xa2: {  	_ =	swait.ge [sflag:s23], $0x1  }
0xa3: {  	[sflag:s23] =	ssyncset.done $0x0  }
0xa4: {  	s25 =	simm.s32 $0x1B8E;
	s24 =	sld [smem:$0x3FFE];
	[sflag:s23] =	ssyncadd.s32 $0xFFFFFFFF  }
0xa5: {  	s26 =	simm.s32 $execute0_lowered;
	[smem:$0x3FD2] =	sst s25  }
0xa6: {  	s4 =	sshll.u32 s26, $0x1;
	_ =	strace $0x80000046;
	[dreg:$0x1] =	wrdreg $0xFFFFFFFF  }
0xa7: {  	s28 =	simm.s32 $_size_execute0_lowered;
	s2 =	sadd.s32 s2, s4;
	[dreg:$0x0] =	wrdreg $0x0  }
0xa8: {  	s4 =	sshll.u32 s28, $0x1;
	[dreg:$0x2] =	wrdreg s2  }
0xa9: {  	[dreg:$0x3] =	wrdreg s4  }
0xaa: {  	[dreg:$0x4] =	wrdreg $0xC0  }
0xab: {  	_ =	task [dreg:s6], $0x5FFFF  }
0xac: {  	[dreg:$0x1] =	wrdreg $0xFFFFFFFF  }
0xad: {  	[dreg:$0x0] =	wrdreg $0x60  }
0xae: {  	[dreg:$0x2] =	wrdreg s24  }
0xaf: {  	[dreg:$0x3] =	wrdreg $0xA8000  }
0xb0: {  	[dreg:$0x4] =	wrdreg $0x9  }
0xb1: {  	_ =	task.clear_ibuf [dreg:s6], $0x5FFFF;
	_ =	strace $0x90000046  }
0xb2: {  	s29 =	simm.s32 $0x9;
	_ =	strace $0x80000048  }
0xb3: {  	_ =	swait.ge [sflag:s29], $0x1  }
0xb4: {  	[sflag:s29] =	ssyncadd.s32 $0xFFFFFFFF  }
0xb5: {  	_ =	strace $0x90000048  }
0xb6: {  	_ =	sfence  }
0xb7: {  	s30 =	sld [smem:$0x0];
	_ =	sdelay $0x2  }
0xb8: {  	s31 =	sshll.u32 s1, $0xD;
	s1 =	sshrl.u32 s1, $0x2  }
0xb9: {  	s3 =	sand.u32 $0x4000, s31;
	s1 =	sadd.s32 s1, s30  }
0xba: {  	s0 =	sor.u32 s3, s0;
	s1 =	sshll.u32 s1, $0x11  }
0xbb: {  	s0 =	sor.u32 s1, s0  }
0xbc: {  	s0 =	sadd.s32 $0x8F2B, s0  }
0xbd: {  	[sflag:s0] =	ssyncadd.remote.s32 $0x1  }
0xbe: {  	_ =	sfence.sel $0xFFFF  }
0xbf: {  	[dreg:$0x0] =	wrdreg $0xFFFFFFFF;
	(pc) =	sbr.abs _section_cstart, $3  }
0xc0: {  	[dreg:$0x1] =	wrdreg $0xFFFFFFFF  }
0xc1: {  	_ =	task.clear_ibuf [dreg:s6], $0x2FFFF;
	_ =	strace $0x9FFFFFFF  }
0xc2: {  	(tm) =	ssettm $0x7FFFFFFF  }
0xc3: {  	_ =	shalt  }
tec
execute0_lowered:
.L_overlay_start_1:
0x0: {  	(tag) =	ssettag $0x1  }
0x1: {  	s0 =	srdreg.scid  }
0x2: {  	s4 =	rddreg [dreg:$0x0];
	s5 =	sand.u32 $0x1, s0  }
0x3: {  	s0 =	stileid.u32;
	s6 =	smul.u32 $0x28000, s5  }
0x4: {  	s2 =	rddreg [dreg:$0x1];
	s7 =	smul.u32 $0x2800, s0  }
0x5: {  	s1 =	rddreg [dreg:$0x2];
	s3 =	simm.s32 $0x0;
	s14 =	smul.u32 $0x140000, s5  }
0x6: {  	[smem:$0x7FF] =	sst s3;
	s13 =	smul.u32 $0x14000, s0  }
0x7: {  	s15 =	sadd.s32 $0xD600, s4;
	s5 =	ssub.s32 $0x2, s5;
	s24 =	smul.u32 $0x50000, s0  }
0x8: {  	_ =	strace $0x80000047;
	s25 =	sshrl.u32 s5, $0x1;
	s6 =	sadd.s32 s7, s6  }
0x9: {  	s8 =	sadd.s32 s14, s13;
	s9 =	ssub.s32 s5, s25;
	s26 =	sshrl.u32 s24, $0x2  }
0xa: {  	s16 =	sadd.s32 $0x4000, s13;
	s17 =	sadd.s32 $0x8000, s13;
	s18 =	sadd.s32 $0xC000, s13  }
0xb: {  	s19 =	sadd.s32 $0x10000, s13;
	s6 =	sshrl.u32 s6, $0x3;
	s28 =	sshrl.u32 s8, $0x3  }
0xc: {  	s7 =	smax.u32 s9, $0x1;
	s12 =	sadd.s32 s14, s16;
	s20 =	sadd.s32 s16, s2  }
0xd: {  	s29 =	sadd.s32 s14, s17;
	s30 =	sadd.s32 s14, s18;
	s14 =	sadd.s32 s14, s19  }
0xe: {  	s21 =	sadd.s32 s17, s2;
	s22 =	sadd.s32 s18, s2;
	s23 =	sadd.s32 s19, s2  }
0xf: {  	s17 =	simm.s32 $0x1;
	s18 =	simm.s32 $0x80;
	s19 =	simm.s32 $0x2800  }
0x10: {  	s6 =	sadd.s32 s6, s4;
	s4 =	sadd.s32 s26, s2;
	s12 =	sshrl.u32 s12, $0x3  }
0x11: {  	s16 =	sshrl.u32 s29, $0x3;
	s31 =	sshrl.u32 s14, $0x3;
	s20 =	sshrl.u32 s20, $0x3  }
0x12: {  	s21 =	sshrl.u32 s21, $0x3;
	s22 =	sshrl.u32 s22, $0x3;
	s23 =	sshrl.u32 s23, $0x3  }
0x13: {  	s5 =	sadd.s32 $0x3600, s6;
	s6 =	sadd.s32 s15, s28;
	s8 =	sadd.s32 $0x4000, s4  }
0x14: {  	s9 =	sadd.s32 $0x8000, s4;
	s10 =	sadd.s32 $0xC000, s4;
	s11 =	sadd.s32 $0x10000, s4  }
0x15: {  	s12 =	sadd.s32 s15, s12;
	s13 =	sadd.s32 s15, s16;
	s16 =	sshrl.u32 s30, $0x3  }
0x16: {  	v0 =	vimm.f32 $1.000000000e+00;
	v1 =	vimm.f32 $0.0e+00;
	s14 =	sadd.s32 s15, s16;
	s15 =	sadd.s32 s15, s31;
	s16 =	simm.s32 $0x6800  }
.LBB2_1:
0x17: {  	s24 =	simm.s32 $0x200;
	s25 =	simm.s32 $0x0  }
.LBB2_2:
0x18: {  	p0 =	sne.s32 s24, $0xFE00;
	[tilespmem:s25+$0x2800] =	vst v0;
	s26 =	smov.u32 s24;
	s24 =	sadd.s32 $0x200, s24  }
.Ltmp0:
0x19: {  	[tilespmem:s25+$0x6800] =	vst v1;
	(pc) =	sbr.rel @p0 .LBB2_2-.Ltmp0, $2  }
0x1a: {  	_ =	sdelay $0x2  }
0x1b: {  	s25 =	sshra.s32 s26, $0x2  }
0x1c: {  	[tilespmem:s25+$0x2800] =	vst v0  }
0x1d: {  	[tilespmem:s25+$0x6800] =	vst v1  }
0x1e: {  	[spmem:s4] =	stream.linear.scatter [tilespmem:s16], [sflag:$0x1], $0x4000, $0x38;
	[tilespmem:$0xD000] =	vst v63  }
0x1f: {  	_ =	swait.ge [sflag:s17], $0x4000  }
0x20: {  	[sflag:s17] =	ssyncset.done $0x0  }
0x21: {  	[sflag:s17] =	ssyncadd.s32 $0xFFFFC000  }
0x22: {  	[spmem:s8] =	stream.linear.scatter [tilespmem:s16], [sflag:$0x1], $0x4000, $0x38;
	[tilespmem:$0xD000] =	vst v63  }
0x23: {  	_ =	swait.ge [sflag:s17], $0x4000  }
0x24: {  	[sflag:s17] =	ssyncset.done $0x0  }
0x25: {  	[sflag:s17] =	ssyncadd.s32 $0xFFFFC000  }
0x26: {  	[spmem:s9] =	stream.linear.scatter [tilespmem:s16], [sflag:$0x1], $0x4000, $0x38;
	[tilespmem:$0xD000] =	vst v63  }
0x27: {  	_ =	swait.ge [sflag:s17], $0x4000  }
0x28: {  	[sflag:s17] =	ssyncset.done $0x0  }
0x29: {  	[sflag:s17] =	ssyncadd.s32 $0xFFFFC000  }
0x2a: {  	[spmem:s10] =	stream.linear.scatter [tilespmem:s16], [sflag:$0x1], $0x4000, $0x38;
	[tilespmem:$0xD000] =	vst v63  }
0x2b: {  	_ =	swait.ge [sflag:s17], $0x4000  }
0x2c: {  	[sflag:s17] =	ssyncset.done $0x0  }
0x2d: {  	[sflag:s17] =	ssyncadd.s32 $0xFFFFC000  }
0x2e: {  	[spmem:s11] =	stream.linear.scatter [tilespmem:s16], [sflag:$0x1], $0x4000, $0x38;
	[tilespmem:$0xD000] =	vst v63  }
0x2f: {  	_ =	swait.ge [sflag:s17], $0x4000  }
0x30: {  	[sflag:s17] =	ssyncset.done $0x0  }
0x31: {  	s24 =	simm.s32 $0x0;
	[sflag:s17] =	ssyncadd.s32 $0xFFFFC000  }
0x32: {  	[tilespmem:s24], [sflag:$0x1] =	stream.linear.gather [hbm4b:s5+s24], $0x2800, $0x38;
	[tilespmem:$0xD000] =	vst v63  }
0x33: {  	_ =	swait.ge [sflag:s17], $0x2800  }
0x34: {  	[sflag:s17] =	ssyncset.done $0x0  }
0x35: {  	[sflag:s17] =	ssyncadd.s32 $0xFFFFD800  }
0x36: {  	s31 =	simm.s32 $0x0;
	[bflag:$0x0] =	sbarrier.arrive $0xFFFF  }
0x37: {  	[spmem:s2] =	stream.indirect.scatter.add.f32 [tilespmem:s19], [sflag:$0x1], $0x10, s31, s18, $0xb8;
	[tilespmem:$0xD000] =	vst v63  }
0x38: {  	_ =	swait.ge [sflag:s17], $0x800  }
0x39: {  	s24 =	simm.s32 $0x200;
	[sflag:s17] =	ssyncset.done $0x0  }
.LBB2_4:
0x3a: {  	s25 =	sshra.s32 s24, $0x2;
	[sflag:s17] =	ssyncadd.s32 $0xFFFFF800;
	p0 =	sne.s32 s24, $0x9E00  }
0x3b: {  	[spmem:s2] =	stream.indirect.scatter.add.f32 [tilespmem:s19], [sflag:$0x1], $0x10, s25, s18, $0xb8;
	[tilespmem:$0xD000] =	vst v63  }
.Ltmp1:
0x3c: {  	_ = 	snop;
	(pc) =	sbr.rel @p0 .LBB2_4-.Ltmp1, $4  }
0x3d: {  	_ = 	snop  }
0x3e: {  	s24 =	sadd.s32 $0x200, s24  }
0x3f: {  	_ =	swait.ge [sflag:s17], $0x800  }
0x40: {  	[sflag:s17] =	ssyncset.done $0x0  }
0x41: {  	[sflag:s17] =	ssyncadd.s32 $0xFFFFF800;
	s24 =	sshll.u32 s0, $0x6  }
0x42: {  	s25 =	sshrl.u32 s4, $0x3;
	[bflag:$0x0] =	sbarrier.arrive $0xFFFF;
	s24 =	sor.u32 $0x1C01, s24  }
0x43: {  	[hbm:s6], [sflag:s24] =	dma.local [spmem:s25], $0x800  }
0x44: {  	_ =	swait.ge [sflag:s17], $0x800  }
0x45: {  	[sflag:s17] =	ssyncset.done $0x0  }
0x46: {  	[sflag:s17] =	ssyncadd.s32 $0xFFFFF800  }
0x47: {  	[hbm:s12], [sflag:s24] =	dma.local [spmem:s20], $0x800  }
0x48: {  	_ =	swait.ge [sflag:s17], $0x800  }
0x49: {  	[sflag:s17] =	ssyncset.done $0x0  }
0x4a: {  	[sflag:s17] =	ssyncadd.s32 $0xFFFFF800  }
0x4b: {  	[hbm:s13], [sflag:s24] =	dma.local [spmem:s21], $0x800  }
0x4c: {  	_ =	swait.ge [sflag:s17], $0x800  }
0x4d: {  	[sflag:s17] =	ssyncset.done $0x0  }
0x4e: {  	[sflag:s17] =	ssyncadd.s32 $0xFFFFF800  }
0x4f: {  	[hbm:s14], [sflag:s24] =	dma.local [spmem:s22], $0x800  }
0x50: {  	s3 =	sadd.s32 $0x1, s3;
	_ =	swait.ge [sflag:s17], $0x800  }
0x51: {  	p0 =	sne.s32 s3, s7;
	[sflag:s17] =	ssyncset.done $0x0  }
.Ltmp2:
0x52: {  	[sflag:s17] =	ssyncadd.s32 $0xFFFFF800;
	(pc) =	sbr.rel @p0 .LBB2_1-.Ltmp2, $4  }
0x53: {  	[hbm:s15], [sflag:s24] =	dma.local [spmem:s23], $0x800  }
0x54: {  	_ =	swait.ge [sflag:s17], $0x800  }
0x55: {  	[sflag:s17] =	ssyncset.done $0x0  }
0x56: {  	[sflag:s17] =	ssyncadd.s32 $0xFFFFF800  }
0x57: {  	_ =	sfence.sel $0x180000  }
0x58: {  	[bflag:$0x0] =	sbarrier.arrive $0xFFFF  }
0x59: {  	p0 =	sne.s32 s0, $0x0;
	_ =	strace $0x90000047  }
0x5a: {  	s0 =	sadd.s32 @!p0 $0x100000, s1;
	[bflag:$0x2] =	sbarrier.arrive $0xFFFF  }
0x5b: {  	[sflag:s0] =	ssyncadd.tile.s32 @!p0 $0x1;
	_ =	shalt  }
.Lfunc_end2:
_tile_overlayer_lowered:
.L_overlay_start_2:
0x5c: {  	(tag) =	ssettag $0x2  }
0x5d: {  	s0 =	rddreg [dreg:$0x0];
	s2 =	stileid.u32  }
0x5e: {  	s1 =	rddreg [dreg:$0x1];
	p0 =	sne.s32 s2, $0x0  }
0x5f: {  	s3 =	rddreg [dreg:$0x2];
	[bflag:$0x3] =	sbarrier.arrive $0xFFFF;
	s2 =	simm.s32 @!p0 $0x1C01  }
0x60: {  	[timem:s3], [sflag:s2] =	dma.local @!p0 [hbm:s0], s1  }
0x61: {  	s0 =	simm.s32 @!p0 $0x1  }
0x62: {  	_ =	swait.ge @!p0 [sflag:s0], s1  }
0x63: {  	s1 =	ssub.s32 @!p0 $0x0, s1;
	[sflag:s0] =	ssyncset.done @!p0 $0x0  }
0x64: {  	[sflag:s0] =	ssyncadd.s32 @!p0 s1  }
0x65: {  	[bflag:$0x3] =	sbarrier.arrive $0xFFFF  }
0x66: {  	_ =	shalt  }

</sc_bundles>
